<compile_context>
chip_gen: v7x
topology: tpu7x:2x2x1
jax: 0.10.2.dev20260603
libtpu: 0.0.44.dev20260713+nightly
codegen_flags: <defaults>
</compile_context>

<pallas_src>
import jax
import jax.numpy as jnp
from jax import lax
from jax.experimental import pallas as pl
from jax.experimental.pallas import tpu as pltpu
from jax.experimental.pallas import tpu_sc as plsc

B, N, S, K, D = 16, 4096, 512, 32, 64


def _fps_kernel(xyz_ref, cx_ref, cy_ref, cz_ref):
    x = xyz_ref[:, 0, :]
    y = xyz_ref[:, 1, :]
    z = xyz_ref[:, 2, :]
    iota = lax.broadcasted_iota(jnp.int32, (B, N), 1)
    def _t(col):
        return col.reshape(1, B)

    def step(i, carry):
        distance, farthest = carry
        sel = iota == farthest
        cx = jnp.sum(jnp.where(sel, x, 0.0), axis=1, keepdims=True)
        cy = jnp.sum(jnp.where(sel, y, 0.0), axis=1, keepdims=True)
        cz = jnp.sum(jnp.where(sel, z, 0.0), axis=1, keepdims=True)
        cx_ref[pl.ds(i, 1), :] = _t(cx)
        cy_ref[pl.ds(i, 1), :] = _t(cy)
        cz_ref[pl.ds(i, 1), :] = _t(cz)
        dx = x - cx
        dy = y - cy
        dz = z - cz
        sq1 = dx * dx
        sq2 = dy * dy
        sq3 = dz * dz
        dist = (sq1 + sq2) + sq3
        distance = jnp.minimum(distance, dist)
        m = jnp.max(distance, axis=1, keepdims=True)
        farthest = jnp.min(jnp.where(distance == m, iota, N), axis=1, keepdims=True)
        return distance, farthest

    lax.fori_loop(0, S, step,
                  (jnp.full((B, N), 1e10, jnp.float32),
                   jnp.zeros((B, 1), jnp.int32)))


def _run_fps(xyz):
    return pl.pallas_call(
        _fps_kernel,
        out_shape=[jax.ShapeDtypeStruct((S, B), jnp.float32)] * 3,
    )(xyz)


def _sqr_kernel(nx_ref, xt_ref, ns_ref, nd_ref, o_ref):
    nx = nx_ref[0]
    xt = xt_ref[0]
    mm = lax.dot_general(nx, xt, (((1,), (1,)), ((), ())),
                         preferred_element_type=jnp.float32)
    o_ref[0] = (-2.0 * mm + ns_ref[0, 0][:, None]) + nd_ref[0, 0][None, :]


def _run_sqr(new_xyz, xyz_t, ns_host, nd_host):
    return pl.pallas_call(
        _sqr_kernel,
        grid=(B,),
        in_specs=[
            pl.BlockSpec((1, S, 3), lambda b: (b, 0, 0)),
            pl.BlockSpec((1, N, 3), lambda b: (b, 0, 0)),
            pl.BlockSpec((1, 1, S), lambda b: (b, 0, 0)),
            pl.BlockSpec((1, 1, N), lambda b: (b, 0, 0)),
        ],
        out_specs=pl.BlockSpec((1, S, N), lambda b: (b, 0, 0)),
        out_shape=jax.ShapeDtypeStruct((B, S, N), jnp.float32),
    )(new_xyz, xyz_t, ns_host.reshape(B, 1, S), nd_host.reshape(B, 1, N))


NW = 32
GRPW = (B * S * K) // NW
GCH = 512


def _gather_body(tab, idx_hbm, out, idx_v, rows_v, sem):
    c = lax.axis_index("c")
    s = lax.axis_index("s")
    wid = s * 2 + c
    wbase = wid * GRPW

    def chunk(ci, carry):
        base = wbase + ci * GCH
        pltpu.sync_copy(idx_hbm.at[pl.ds(base, GCH)], idx_v)
        pltpu.async_copy(tab.at[idx_v], rows_v, sem).wait()
        pltpu.sync_copy(rows_v, out.at[pl.ds(base, GCH)])
        return carry

    lax.fori_loop(0, GRPW // GCH, chunk, 0)


def _run_gather(tab, idx_flat):
    return pl.kernel(
        _gather_body,
        out_type=jax.ShapeDtypeStruct((B * S * K, 128), jnp.float32),
        mesh=plsc.VectorSubcoreMesh(core_axis_name="c", subcore_axis_name="s"),
        scratch_types=[
            pltpu.VMEM((GCH,), jnp.int32),
            pltpu.VMEM((GCH, 128), jnp.float32),
            pltpu.SemaphoreType.DMA,
        ],
    )(tab, idx_flat)


def _index_points3(points, idx):
    return points[jnp.arange(B)[:, None, None], idx]


def _bn(x, g, b):
    mean = jnp.mean(x, axis=(0, 2, 3), keepdims=True)
    var = jnp.var(x, axis=(0, 2, 3), keepdims=True)
    return (x - mean) / jnp.sqrt(var + 1e-5) * g.reshape(1, -1, 1, 1) + b.reshape(1, -1, 1, 1)


def _conv1x1(x, w, b):
    return jnp.einsum('bchw,oc->bohw', x, w[:, :, 0, 0]) + b.reshape(1, -1, 1, 1)


def kernel(xyz, points, npoint, radius, nsample, w1, b1, bn1_g, bn1_b, nt1_w, nt1_b, nt1_g, nt1_b2, nt2_w, nt2_b, nt2_g, nt2_b2, out_w, out_b, out_g, out_b2):
    xyz_t = jnp.transpose(xyz, (0, 2, 1))
    points_t = jnp.transpose(points, (0, 2, 1))

    cx, cy, cz = _run_fps(xyz)
    new_xyz = jnp.stack([cx.T, cy.T, cz.T], axis=-1)

    ns_host = jnp.sum(new_xyz ** 2, -1)
    nd_host = jnp.sum(xyz_t ** 2, -1)
    sqr = _run_sqr(new_xyz, xyz_t, ns_host, nd_host)

    key = jnp.where(sqr > radius ** 2, jnp.float32(-N),
                    -jnp.broadcast_to(jnp.arange(N, dtype=jnp.float32), (B, S, N)))
    vals, _ = lax.top_k(key, K)
    gi = (-vals).astype(jnp.int32)
    first = gi[:, :, :1]
    idx = jnp.where(gi == N, jnp.broadcast_to(first, gi.shape), gi)
    idxg = (idx + (jnp.arange(B, dtype=jnp.int32) * N)[:, None, None]).reshape(B * S, K)

    tab = jnp.concatenate(
        [points_t.reshape(B * N, D), xyz_t.reshape(B * N, 3),
         jnp.zeros((B * N, 128 - D - 3), jnp.float32)], axis=1)
    g_flat = _run_gather(tab, idxg.reshape(B * S * K))
    grouped_points = g_flat[:, :D].reshape(B, S, K, D)
    grouped_xyz = g_flat[:, D:D + 3].reshape(B, S, K, 3)
    gx = grouped_xyz.at[:, :, 0, :].set(0.0)
    density = jnp.sum(gx, axis=-1, keepdims=True)
    density = jnp.where(density < 1e-10, 1e-10, density)
    inv = 1.0 / density
    inv_max = jnp.max(inv, axis=2, keepdims=True)
    density_scale = inv / inv_max
    gxp = jnp.transpose(gx, (0, 3, 1, 2))
    weight = jax.nn.relu(_bn(_conv1x1(gxp, w1, b1), bn1_g, bn1_b))
    ds = jnp.transpose(density_scale, (0, 3, 1, 2))
    ds1 = jax.nn.relu(_bn(_conv1x1(ds, nt1_w, nt1_b), nt1_g, nt1_b2))
    ds = jax.nn.sigmoid(_bn(_conv1x1(ds1, nt2_w, nt2_b), nt2_g, nt2_b2))
    dsf = jnp.transpose(ds, (0, 2, 3, 1))
    wgt_t = jnp.transpose(weight, (0, 2, 3, 1))
    p_mat = jnp.einsum('bskd,bskm->bsdm', grouped_points * dsf, wgt_t)
    out = jnp.einsum('bsdm,odm->bos', p_mat, out_w[:, :, 0, :]) + out_b.reshape(1, -1, 1)
    out = out[:, :, :, None]
    out = _bn(out, out_g, out_b2)
    out = jnp.squeeze(out, axis=-1)
    return out

# --- scband reference (transcript-rebuilt; emitter-appended) ---
"""Pipeline reference for scband-depointconv-81501299409047 (READ-ONLY COPY).

The authoritative reference and input builder live on the scoring server;
editing this copy changes nothing except your own understanding.
"""

import jax, jax.numpy as jnp
import numpy as np


def _index_points2(points, idx):
    B = points.shape[0]
    return points[jnp.arange(B)[:, None], idx]


def _index_points3(points, idx):
    B = points.shape[0]
    return points[jnp.arange(B)[:, None, None], idx]


def _farthest_point_sample(xyz, npoint):
    B, N, _ = xyz.shape
    bidx = jnp.arange(B)

    def step(state, _):
        distance, farthest = state
        centroid = xyz[bidx, farthest].reshape(B, 1, 3)
        dist = jnp.sum((xyz - centroid) ** 2, -1)
        distance = jnp.minimum(distance, dist)
        new_farthest = jnp.argmax(distance, -1).astype(jnp.int32)
        return (distance, new_farthest), farthest

    init = (jnp.full((B, N), 1e10, jnp.float32), jnp.zeros((B,), jnp.int32))
    _, cents = jax.lax.scan(step, init, None, length=npoint)
    return jnp.transpose(cents)


def _square_distance(src, dst):
    dist = -2.0 * jnp.matmul(src, jnp.transpose(dst, (0, 2, 1)))
    dist = dist + jnp.sum(src ** 2, -1)[:, :, None]
    dist = dist + jnp.sum(dst ** 2, -1)[:, None, :]
    return dist


def _query_ball_point(radius, nsample, xyz, new_xyz):
    B, N, _ = xyz.shape
    S = new_xyz.shape[1]
    group_idx = jnp.broadcast_to(jnp.arange(N, dtype=jnp.int32), (B, S, N))
    sqr = _square_distance(new_xyz, xyz)
    group_idx = jnp.where(sqr > radius ** 2, N, group_idx)
    group_idx = jnp.sort(group_idx, axis=-1)[:, :, :nsample]
    group_first = group_idx[:, :, :1]
    group_idx = jnp.where(group_idx == N, jnp.broadcast_to(group_first, group_idx.shape), group_idx)
    return group_idx


def _bn(x, g, b):
    mean = jnp.mean(x, axis=(0, 2, 3), keepdims=True)
    var = jnp.var(x, axis=(0, 2, 3), keepdims=True)
    return (x - mean) / jnp.sqrt(var + 1e-5) * g.reshape(1, -1, 1, 1) + b.reshape(1, -1, 1, 1)


def _conv1x1(x, w, b):
    return jnp.einsum('bchw,oc->bohw', x, w[:, :, 0, 0]) + b.reshape(1, -1, 1, 1)


def setup_inputs(seed: int = 0):
    key = jax.random.key(seed)
    ks = jax.random.split(key, 8)
    B, N, D, Cout, cmid = 16, 4096, 64, 128, 32
    inp = {}
    inp['xyz'] = jax.random.normal(ks[0], (B, 3, N), jnp.float32)
    inp['points'] = jax.random.normal(ks[1], (B, D, N), jnp.float32)
    inp['npoint'] = 512
    inp['radius'] = 1
    inp['nsample'] = 32
    inp['w1'] = jax.random.normal(ks[2], (cmid, 3, 1, 1), jnp.float32) * 0.1
    inp['b1'] = jnp.zeros((cmid,), jnp.float32)
    inp['bn1_g'] = jnp.ones((cmid,), jnp.float32)
    inp['bn1_b'] = jnp.zeros((cmid,), jnp.float32)
    inp['nt1_w'] = jax.random.normal(ks[3], (16, 1, 1, 1), jnp.float32) * 0.1
    inp['nt1_b'] = jnp.zeros((16,), jnp.float32)
    inp['nt1_g'] = jnp.ones((16,), jnp.float32)
    inp['nt1_b2'] = jnp.zeros((16,), jnp.float32)
    inp['nt2_w'] = jax.random.normal(ks[4], (1, 16, 1, 1), jnp.float32) * 0.1
    inp['nt2_b'] = jnp.zeros((1,), jnp.float32)
    inp['nt2_g'] = jnp.ones((1,), jnp.float32)
    inp['nt2_b2'] = jnp.zeros((1,), jnp.float32)
    inp['out_w'] = jax.random.normal(ks[5], (Cout, D, 1, cmid), jnp.float32) * 0.05
    inp['out_b'] = jnp.zeros((Cout,), jnp.float32)
    inp['out_g'] = jnp.ones((Cout,), jnp.float32)
    inp['out_b2'] = jnp.zeros((Cout,), jnp.float32)
    return inp


def reference(xyz, points, npoint, radius, nsample, w1, b1, bn1_g, bn1_b, nt1_w, nt1_b, nt1_g, nt1_b2, nt2_w, nt2_b, nt2_g, nt2_b2, out_w, out_b, out_g, out_b2):
    xyz = jnp.transpose(xyz, (0, 2, 1))
    points = jnp.transpose(points, (0, 2, 1))
    fps_idx = _farthest_point_sample(xyz, 512)
    fps_idx = fps_idx + (jnp.asarray(npoint) * 0).astype(fps_idx.dtype)
    new_xyz = _index_points2(xyz, fps_idx)
    idx = _query_ball_point(radius, 32, xyz, new_xyz)
    idx = idx + (jnp.asarray(nsample) * 0).astype(idx.dtype)
    grouped_xyz = _index_points3(xyz, idx)
    grouped_points = _index_points3(points, idx)
    # kernel_density_estimation_ball mutates grouped_xyz in place: only sample 0 is zeroed
    gx = grouped_xyz.at[:, :, 0, :].set(0.0)
    density = jnp.sum(gx, axis=-1, keepdims=True)
    density = jnp.where(density < 1e-10, 1e-10, density)
    inv = 1.0 / density
    inv_max = jnp.max(inv, axis=2, keepdims=True)
    density_scale = inv / inv_max
    gxp = jnp.transpose(gx, (0, 3, 1, 2))
    weight = jax.nn.relu(_bn(_conv1x1(gxp, w1, b1), bn1_g, bn1_b))
    ds = jnp.transpose(density_scale, (0, 3, 1, 2))
    ds1 = jax.nn.relu(_bn(_conv1x1(ds, nt1_w, nt1_b), nt1_g, nt1_b2))
    ds = jax.nn.sigmoid(_bn(_conv1x1(ds1, nt2_w, nt2_b), nt2_g, nt2_b2))
    gf = jnp.transpose(grouped_points, (0, 3, 2, 1))
    gf = jnp.transpose(gf, (0, 1, 3, 2))
    npts = gf * ds
    npts = jnp.transpose(npts, (0, 2, 1, 3))
    wgt = jnp.transpose(weight, (0, 2, 3, 1))
    npts = jnp.matmul(npts, wgt)
    npts = jnp.transpose(npts, (0, 2, 1, 3))
    out = jnp.einsum('bcsk,ock->bos', npts, out_w[:, :, 0, :]) + out_b.reshape(1, -1, 1)
    out = out[:, :, :, None]
    out = _bn(out, out_g, out_b2)
    out = jnp.squeeze(out, axis=-1)
    return out

if __name__ == "__main__":
    import jax
    _d = setup_inputs()
    print(jax.jit(kernel)(*tuple(_d.values())))

</pallas_src>

<mosaic_0001>
#map = affine_map<(d0, d1) -> (0, 0)>
#map1 = affine_map<(d0, d1) -> (0)>
module attributes {stable_mosaic.version = 14 : i64} {
  func.func @_gather_body(%arg0: i32, %arg1: i32, %arg2: memref<65536x128xf32, #tpu.memory_space<hbm>>, %arg3: memref<262144xi32, #tpu.memory_space<hbm>>, %arg4: memref<262144x128xf32, #tpu.memory_space<hbm>>, %arg5: memref<512xi32, #tpu.memory_space<vmem>>, %arg6: memref<512x128xf32, #tpu.memory_space<vmem>>, %arg7: memref<!tpu.dma_semaphore, #tpu.memory_space<semaphore_mem>>) attributes {dimension_semantics = [#tpu.dimension_semantics<core_parallel>, #tpu.dimension_semantics<subcore_parallel>], iteration_bounds = array<i64: 2, 16>, scalar_prefetch = 0 : i64, scratch_operands = 3 : i64, tpu.core_type = #tpu.core_type<sc_vector_subcore>, window_params = [{transform_indices = #map}, {transform_indices = #map1}, {transform_indices = #map}]} {
    %mul3A = arith.constant 2 : i32
    %mul3A_0 = arith.muli %arg1, %mul3A : i32
    %add3A = arith.addi %mul3A_0, %arg0 : i32
    %mul3A_1 = arith.constant 8192 : i32
    %mul3A_2 = arith.muli %add3A, %mul3A_1 : i32
    %scan3A = arith.constant 0 : i32
    %scan3A_3 = arith.constant 0 : i32
    %scan3A_4 = arith.constant 16 : i32
    %scan3A_5 = arith.addi %scan3A_3, %scan3A_4 : i32
    %scan3A_6 = arith.constant 1 : i32
    scf.for %scan3A_8 = %scan3A_3 to %scan3A_5 step %scan3A_6  : i32 {
      %mul3A_9 = arith.constant 512 : i32
      %mul3A_10 = arith.muli %scan3A_8, %mul3A_9 : i32
      %add3A_11 = arith.addi %mul3A_2, %mul3A_10 : i32
      "tpu.region"() ({
        %run_scoped3A = tpu.sem_alloc : memref<!tpu.dma_semaphore, #tpu.memory_space<semaphore_mem>>
        %dma_start3A_16 = tpu.memref_slice %arg3[%add3A_11] : memref<262144xi32, #tpu.memory_space<hbm>> -> memref<512xi32, #tpu.memory_space<hbm>>
        %dma_start3A_17 = tpu.memref_slice %arg3[%add3A_11] : memref<262144xi32, #tpu.memory_space<hbm>> -> memref<512xi32, #tpu.memory_space<hbm>>
        tpu.enqueue_dma source(%dma_start3A_17 : memref<512xi32, #tpu.memory_space<hbm>>) target(%arg5 : memref<512xi32, #tpu.memory_space<vmem>>) target_semaphore(%run_scoped3A : memref<!tpu.dma_semaphore, #tpu.memory_space<semaphore_mem>>)
        %dma_wait3A_18 = tpu.memref_slice %arg3[%add3A_11] : memref<262144xi32, #tpu.memory_space<hbm>> -> memref<512xi32, #tpu.memory_space<hbm>>
        %dma_wait3A_19 = tpu.memref_slice %arg3[%add3A_11] : memref<262144xi32, #tpu.memory_space<hbm>> -> memref<512xi32, #tpu.memory_space<hbm>>
        tpu.wait_dma2 semaphore(%run_scoped3A : memref<!tpu.dma_semaphore, #tpu.memory_space<semaphore_mem>>) src(%dma_wait3A_19 : memref<512xi32, #tpu.memory_space<hbm>>) dst(%arg5 : memref<512xi32, #tpu.memory_space<vmem>>)
        tpu.yield
      }) : () -> ()
      %dma_start3A = arith.constant 0 : i32
      %dma_start3A_12 = arith.constant 0 : i32
      %dma_start3A_13 = tpu.memref_slice %arg2[%dma_start3A, %dma_start3A_12] : memref<65536x128xf32, #tpu.memory_space<hbm>> -> memref<65536x128xf32, #tpu.memory_space<hbm>>
      tpu.enqueue_indirect_dma source(%dma_start3A_13 : memref<65536x128xf32, #tpu.memory_space<hbm>>) target(%arg6 : memref<512x128xf32, #tpu.memory_space<vmem>>) offsets(%arg5 : memref<512xi32, #tpu.memory_space<vmem>>) semaphore(%arg7 : memref<!tpu.dma_semaphore, #tpu.memory_space<semaphore_mem>>)
      %dma_wait3A = arith.constant 0 : i32
      %dma_wait3A_14 = arith.constant 0 : i32
      %dma_wait3A_15 = tpu.memref_slice %arg2[%dma_wait3A, %dma_wait3A_14] : memref<65536x128xf32, #tpu.memory_space<hbm>> -> memref<65536x128xf32, #tpu.memory_space<hbm>>
      tpu.wait_indirect_dma semaphore(%arg7 : memref<!tpu.dma_semaphore, #tpu.memory_space<semaphore_mem>>) src(%dma_wait3A_15 : memref<65536x128xf32, #tpu.memory_space<hbm>>) dst(%arg6 : memref<512x128xf32, #tpu.memory_space<vmem>>)
      "tpu.region"() ({
        %run_scoped3A = tpu.sem_alloc : memref<!tpu.dma_semaphore, #tpu.memory_space<semaphore_mem>>
        %dma_start3A_16 = arith.constant 0 : i32
        %dma_start3A_17 = tpu.memref_slice %arg4[%add3A_11, %dma_start3A_16] : memref<262144x128xf32, #tpu.memory_space<hbm>> -> memref<512x128xf32, #tpu.memory_space<hbm>>
        %dma_start3A_18 = arith.constant 0 : i32
        %dma_start3A_19 = tpu.memref_slice %arg4[%add3A_11, %dma_start3A_18] : memref<262144x128xf32, #tpu.memory_space<hbm>> -> memref<512x128xf32, #tpu.memory_space<hbm>>
        tpu.enqueue_dma source(%arg6 : memref<512x128xf32, #tpu.memory_space<vmem>>) target(%dma_start3A_19 : memref<512x128xf32, #tpu.memory_space<hbm>>) target_semaphore(%run_scoped3A : memref<!tpu.dma_semaphore, #tpu.memory_space<semaphore_mem>>)
        %dma_wait3A_20 = arith.constant 0 : i32
        %dma_wait3A_21 = tpu.memref_slice %arg4[%add3A_11, %dma_wait3A_20] : memref<262144x128xf32, #tpu.memory_space<hbm>> -> memref<512x128xf32, #tpu.memory_space<hbm>>
        %dma_wait3A_22 = arith.constant 0 : i32
        %dma_wait3A_23 = tpu.memref_slice %arg4[%add3A_11, %dma_wait3A_22] : memref<262144x128xf32, #tpu.memory_space<hbm>> -> memref<512x128xf32, #tpu.memory_space<hbm>>
        tpu.wait_dma2 semaphore(%run_scoped3A : memref<!tpu.dma_semaphore, #tpu.memory_space<semaphore_mem>>) src(%arg6 : memref<512x128xf32, #tpu.memory_space<vmem>>) dst(%dma_wait3A_23 : memref<512x128xf32, #tpu.memory_space<hbm>>)
        tpu.yield
      }) : () -> ()
    }
    %scan3A_7 = arith.constant 16 : i32
    return
  }
}

module attributes {stable_mosaic.version = 14 : i64} {
  func.func @_fps_kernel(%arg0: memref<16x3x4096xf32, #tpu.memory_space<vmem>>, %arg1: memref<512x16xf32, #tpu.memory_space<vmem>>, %arg2: memref<512x16xf32, #tpu.memory_space<vmem>>, %arg3: memref<512x16xf32, #tpu.memory_space<vmem>>) attributes {dimension_semantics = [], scalar_prefetch = 0 : i64, scratch_operands = 0 : i64, tpu.core_type = #tpu.core_type<tc>} {
    %get3A = arith.constant 0 : index
    %get3A_0 = arith.constant 0 : index
    %get3A_1 = arith.constant 0 : index
    %get3A_2 = vector.load %arg0[%get3A, %get3A_0, %get3A_1] : memref<16x3x4096xf32, #tpu.memory_space<vmem>>, vector<16x1x4096xf32>
    %get3A_3 = vector.shape_cast %get3A_2 : vector<16x1x4096xf32> to vector<16x4096xf32>
    %get3A_4 = arith.constant 0 : index
    %get3A_5 = arith.constant 1 : index
    %get3A_6 = arith.constant 0 : index
    %get3A_7 = vector.load %arg0[%get3A_4, %get3A_5, %get3A_6] : memref<16x3x4096xf32, #tpu.memory_space<vmem>>, vector<16x1x4096xf32>
    %get3A_8 = vector.shape_cast %get3A_7 : vector<16x1x4096xf32> to vector<16x4096xf32>
    %get3A_9 = arith.constant 0 : index
    %get3A_10 = arith.constant 2 : index
    %get3A_11 = arith.constant 0 : index
    %get3A_12 = vector.load %arg0[%get3A_9, %get3A_10, %get3A_11] : memref<16x3x4096xf32, #tpu.memory_space<vmem>>, vector<16x1x4096xf32>
    %get3A_13 = vector.shape_cast %get3A_12 : vector<16x1x4096xf32> to vector<16x4096xf32>
    %iota3A = tpu.iota {dimensions = array<i32: 1>} : vector<16x4096xi32>
    %broadcast_in_dim3A = arith.constant 1.000000e+10 : f32
    %broadcast_in_dim3A_14 = vector.broadcast %broadcast_in_dim3A : f32 to vector<16x4096xf32>
    %broadcast_in_dim3A_15 = arith.constant 0 : i32
    %broadcast_in_dim3A_16 = vector.broadcast %broadcast_in_dim3A_15 : i32 to vector<16x1xi32>
    %scan3A = arith.constant 0 : i32
    %scan3A_17 = arith.constant 512 : i32
    %scan3A_18 = arith.addi %scan3A, %scan3A_17 : i32
    %scan3A_19 = arith.constant 1 : i32
    %scan3A_20:2 = scf.for %scan3A_22 = %scan3A to %scan3A_18 step %scan3A_19 iter_args(%scan3A_23 = %broadcast_in_dim3A_14, %scan3A_24 = %broadcast_in_dim3A_16) -> (vector<16x4096xf32>, vector<16x1xi32>)  : i32 {
      %eq3A = vector.broadcast %scan3A_24 : vector<16x1xi32> to vector<16x4096xi32>
      %eq3A_25 = arith.cmpi eq, %iota3A, %eq3A : vector<16x4096xi32>
      %jit3A = arith.constant 0.000000e+00 : f32
      %broadcast_in_dim3A_26 = vector.broadcast %jit3A : f32 to vector<16x4096xf32>
      %select_n3A = arith.select %eq3A_25, %get3A_3, %broadcast_in_dim3A_26 : vector<16x4096xi1>, vector<16x4096xf32>
      %reduce_sum3A = arith.constant dense<0.000000e+00> : vector<16xf32>
      %reduce_sum3A_27 = vector.multi_reduction <add>, %select_n3A, %reduce_sum3A [1] : vector<16x4096xf32> to vector<16xf32>
      %broadcast_in_dim3A_28 = vector.shape_cast %reduce_sum3A_27 : vector<16xf32> to vector<16x1xf32>
      %jit3A_29 = arith.constant 0.000000e+00 : f32
      %broadcast_in_dim3A_30 = vector.broadcast %jit3A_29 : f32 to vector<16x4096xf32>
      %select_n3A_31 = arith.select %eq3A_25, %get3A_8, %broadcast_in_dim3A_30 : vector<16x4096xi1>, vector<16x4096xf32>
      %reduce_sum3A_32 = arith.constant dense<0.000000e+00> : vector<16xf32>
      %reduce_sum3A_33 = vector.multi_reduction <add>, %select_n3A_31, %reduce_sum3A_32 [1] : vector<16x4096xf32> to vector<16xf32>
      %broadcast_in_dim3A_34 = vector.shape_cast %reduce_sum3A_33 : vector<16xf32> to vector<16x1xf32>
      %jit3A_35 = arith.constant 0.000000e+00 : f32
      %broadcast_in_dim3A_36 = vector.broadcast %jit3A_35 : f32 to vector<16x4096xf32>
      %select_n3A_37 = arith.select %eq3A_25, %get3A_13, %broadcast_in_dim3A_36 : vector<16x4096xi1>, vector<16x4096xf32>
      %reduce_sum3A_38 = arith.constant dense<0.000000e+00> : vector<16xf32>
      %reduce_sum3A_39 = vector.multi_reduction <add>, %select_n3A_37, %reduce_sum3A_38 [1] : vector<16x4096xf32> to vector<16xf32>
      %broadcast_in_dim3A_40 = vector.shape_cast %reduce_sum3A_39 : vector<16xf32> to vector<16x1xf32>
      %reshape3A = vector.shape_cast %broadcast_in_dim3A_28 : vector<16x1xf32> to vector<1x16xf32>
      %swap3A = arith.index_cast %scan3A_22 : i32 to index
      %swap3A_41 = arith.constant 0 : index
      %swap3A_42 = vector.load %arg1[%swap3A, %swap3A_41] : memref<512x16xf32, #tpu.memory_space<vmem>>, vector<1x16xf32>
      tpu.vector_store %arg1[%swap3A, %swap3A_41], %reshape3A {strides = array<i32>} : memref<512x16xf32, #tpu.memory_space<vmem>>, vector<1x16xf32>,
      %reshape3A_43 = vector.shape_cast %broadcast_in_dim3A_34 : vector<16x1xf32> to vector<1x16xf32>
      %swap3A_44 = arith.index_cast %scan3A_22 : i32 to index
      %swap3A_45 = arith.constant 0 : index
      %swap3A_46 = vector.load %arg2[%swap3A_44, %swap3A_45] : memref<512x16xf32, #tpu.memory_space<vmem>>, vector<1x16xf32>
      tpu.vector_store %arg2[%swap3A_44, %swap3A_45], %reshape3A_43 {strides = array<i32>} : memref<512x16xf32, #tpu.memory_space<vmem>>, vector<1x16xf32>,
      %reshape3A_47 = vector.shape_cast %broadcast_in_dim3A_40 : vector<16x1xf32> to vector<1x16xf32>
      %swap3A_48 = arith.index_cast %scan3A_22 : i32 to index
      %swap3A_49 = arith.constant 0 : index
      %swap3A_50 = vector.load %arg3[%swap3A_48, %swap3A_49] : memref<512x16xf32, #tpu.memory_space<vmem>>, vector<1x16xf32>
      tpu.vector_store %arg3[%swap3A_48, %swap3A_49], %reshape3A_47 {strides = array<i32>} : memref<512x16xf32, #tpu.memory_space<vmem>>, vector<1x16xf32>,
      %sub3A = vector.broadcast %broadcast_in_dim3A_28 : vector<16x1xf32> to vector<16x4096xf32>
      %sub3A_51 = arith.subf %get3A_3, %sub3A : vector<16x4096xf32>
      %sub3A_52 = vector.broadcast %broadcast_in_dim3A_34 : vector<16x1xf32> to vector<16x4096xf32>
      %sub3A_53 = arith.subf %get3A_8, %sub3A_52 : vector<16x4096xf32>
      %sub3A_54 = vector.broadcast %broadcast_in_dim3A_40 : vector<16x1xf32> to vector<16x4096xf32>
      %sub3A_55 = arith.subf %get3A_13, %sub3A_54 : vector<16x4096xf32>
      %mul3A = arith.mulf %sub3A_51, %sub3A_51 : vector<16x4096xf32>
      %mul3A_56 = arith.mulf %sub3A_53, %sub3A_53 : vector<16x4096xf32>
      %mul3A_57 = arith.mulf %sub3A_55, %sub3A_55 : vector<16x4096xf32>
      %add3A = arith.addf %mul3A, %mul3A_56 : vector<16x4096xf32>
      %add3A_58 = arith.addf %add3A, %mul3A_57 : vector<16x4096xf32>
      %min3A = arith.minimumf %scan3A_23, %add3A_58 : vector<16x4096xf32>
      %reduce_max3A = arith.constant dense<0xFF800000> : vector<16xf32>
      %reduce_max3A_59 = vector.multi_reduction <maximumf>, %min3A, %reduce_max3A [1] : vector<16x4096xf32> to vector<16xf32>
      %broadcast_in_dim3A_60 = vector.shape_cast %reduce_max3A_59 : vector<16xf32> to vector<16x1xf32>
      %eq3A_61 = vector.broadcast %broadcast_in_dim3A_60 : vector<16x1xf32> to vector<16x4096xf32>
      %eq3A_62 = arith.cmpf oeq, %min3A, %eq3A_61 : vector<16x4096xf32>
      %jit3A_63 = arith.constant 4096 : i32
      %broadcast_in_dim3A_64 = vector.broadcast %jit3A_63 : i32 to vector<16x4096xi32>
      %select_n3A_65 = arith.select %eq3A_62, %iota3A, %broadcast_in_dim3A_64 : vector<16x4096xi1>, vector<16x4096xi32>
      %reduce_min3A = arith.constant dense<2147483647> : vector<16xi32>
      %reduce_min3A_66 = vector.multi_reduction <minsi>, %select_n3A_65, %reduce_min3A [1] : vector<16x4096xi32> to vector<16xi32>
      %broadcast_in_dim3A_67 = vector.shape_cast %reduce_min3A_66 : vector<16xi32> to vector<16x1xi32>
      scf.yield %min3A, %broadcast_in_dim3A_67 : vector<16x4096xf32>, vector<16x1xi32>
    }
    %scan3A_21 = arith.constant 512 : i32
    return
  }
}

module attributes {stable_mosaic.version = 14 : i64} {
  func.func @_sqr_kernel(%arg0: i32, %arg1: memref<1x512x3xf32, #tpu.memory_space<vmem>>, %arg2: memref<1x4096x3xf32, #tpu.memory_space<vmem>>, %arg3: memref<1x1x512xf32, #tpu.memory_space<vmem>>, %arg4: memref<1x1x4096xf32, #tpu.memory_space<vmem>>, %arg5: memref<1x512x4096xf32, #tpu.memory_space<vmem>>) attributes {dimension_semantics = [#tpu.dimension_semantics<arbitrary>], iteration_bounds = array<i64: 16>, scalar_prefetch = 0 : i64, scratch_operands = 0 : i64, tpu.core_type = #tpu.core_type<tc>, window_params = [{transform_indices = @transform_0, window_bounds = array<i64: 1, 512, 3>}, {transform_indices = @transform_1, window_bounds = array<i64: 1, 4096, 3>}, {transform_indices = @transform_2, window_bounds = array<i64: 1, 1, 512>}, {transform_indices = @transform_3, window_bounds = array<i64: 1, 1, 4096>}, {transform_indices = @transform_4, window_bounds = array<i64: 1, 512, 4096>}]} {
    %get3A = arith.constant 0 : index
    %get3A_0 = arith.constant 0 : index
    %get3A_1 = arith.constant 0 : index
    %get3A_2 = vector.load %arg1[%get3A, %get3A_0, %get3A_1] : memref<1x512x3xf32, #tpu.memory_space<vmem>>, vector<1x512x3xf32>
    %get3A_3 = vector.shape_cast %get3A_2 : vector<1x512x3xf32> to vector<512x3xf32>
    %get3A_4 = arith.constant 0 : index
    %get3A_5 = arith.constant 0 : index
    %get3A_6 = arith.constant 0 : index
    %get3A_7 = vector.load %arg2[%get3A_4, %get3A_5, %get3A_6] : memref<1x4096x3xf32, #tpu.memory_space<vmem>>, vector<1x4096x3xf32>
    %get3A_8 = vector.shape_cast %get3A_7 : vector<1x4096x3xf32> to vector<4096x3xf32>
    %dot_general3A = arith.constant dense<0.000000e+00> : vector<512x4096xf32>
    %dot_general3A_9 = tpu.matmul %get3A_3, %get3A_8, %dot_general3A {dimension_numbers = #tpu.dot_dimension_numbers<[1], [1], [0], [0], [0, 0, 1, 0], [], []>, transpose_lhs_hint = false} : vector<512x3xf32>, vector<4096x3xf32>, vector<512x4096xf32> -> vector<512x4096xf32>
    %mul3A = arith.constant -2.000000e+00 : f32
    %mul3A_10 = vector.broadcast %mul3A : f32 to vector<512x4096xf32>
    %mul3A_11 = arith.mulf %mul3A_10, %dot_general3A_9 : vector<512x4096xf32>
    %get3A_12 = arith.constant 0 : index
    %get3A_13 = arith.constant 0 : index
    %get3A_14 = arith.constant 0 : index
    %get3A_15 = vector.load %arg3[%get3A_12, %get3A_13, %get3A_14] : memref<1x1x512xf32, #tpu.memory_space<vmem>>, vector<1x1x512xf32>
    %get3A_16 = vector.shape_cast %get3A_15 : vector<1x1x512xf32> to vector<512xf32>
    %broadcast_in_dim3A = vector.shape_cast %get3A_16 : vector<512xf32> to vector<512x1xf32>
    %add3A = vector.broadcast %broadcast_in_dim3A : vector<512x1xf32> to vector<512x4096xf32>
    %add3A_17 = arith.addf %mul3A_11, %add3A : vector<512x4096xf32>
    %get3A_18 = arith.constant 0 : index
    %get3A_19 = arith.constant 0 : index
    %get3A_20 = arith.constant 0 : index
    %get3A_21 = vector.load %arg4[%get3A_18, %get3A_19, %get3A_20] : memref<1x1x4096xf32, #tpu.memory_space<vmem>>, vector<1x1x4096xf32>
    %get3A_22 = vector.shape_cast %get3A_21 : vector<1x1x4096xf32> to vector<4096xf32>
    %broadcast_in_dim3A_23 = vector.shape_cast %get3A_22 : vector<4096xf32> to vector<1x4096xf32>
    %add3A_24 = vector.broadcast %broadcast_in_dim3A_23 : vector<1x4096xf32> to vector<512x4096xf32>
    %add3A_25 = arith.addf %add3A_17, %add3A_24 : vector<512x4096xf32>
    %swap3A = arith.constant 0 : index
    %swap3A_26 = arith.constant 0 : index
    %swap3A_27 = arith.constant 0 : index
    %swap3A_28 = vector.load %arg5[%swap3A, %swap3A_26, %swap3A_27] : memref<1x512x4096xf32, #tpu.memory_space<vmem>>, vector<1x512x4096xf32>
    %swap3A_29 = vector.shape_cast %swap3A_28 : vector<1x512x4096xf32> to vector<512x4096xf32>
    %swap3A_30 = vector.shape_cast %add3A_25 : vector<512x4096xf32> to vector<1x512x4096xf32>
    tpu.vector_store %arg5[%swap3A, %swap3A_26, %swap3A_27], %swap3A_30 {strides = array<i32>} : memref<1x512x4096xf32, #tpu.memory_space<vmem>>, vector<1x512x4096xf32>,
    return
  }
  func.func @transform_0(%arg0: i32) -> (i32, i32, i32) {
    %c0_i32 = arith.constant 0 : i32
    %c0_i32_0 = arith.constant 0 : i32
    %c0_i32_1 = arith.constant 0 : i32
    return %arg0, %c0_i32, %c0_i32_0 : i32, i32, i32
  }
  func.func @transform_1(%arg0: i32) -> (i32, i32, i32) {
    %c0_i32 = arith.constant 0 : i32
    %c0_i32_0 = arith.constant 0 : i32
    %c0_i32_1 = arith.constant 0 : i32
    return %arg0, %c0_i32, %c0_i32_0 : i32, i32, i32
  }
  func.func @transform_2(%arg0: i32) -> (i32, i32, i32) {
    %c0_i32 = arith.constant 0 : i32
    %c0_i32_0 = arith.constant 0 : i32
    %c0_i32_1 = arith.constant 0 : i32
    return %arg0, %c0_i32, %c0_i32_0 : i32, i32, i32
  }
  func.func @transform_3(%arg0: i32) -> (i32, i32, i32) {
    %c0_i32 = arith.constant 0 : i32
    %c0_i32_0 = arith.constant 0 : i32
    %c0_i32_1 = arith.constant 0 : i32
    return %arg0, %c0_i32, %c0_i32_0 : i32, i32, i32
  }
  func.func @transform_4(%arg0: i32) -> (i32, i32, i32) {
    %c0_i32 = arith.constant 0 : i32
    %c0_i32_0 = arith.constant 0 : i32
    %c0_i32_1 = arith.constant 0 : i32
    return %arg0, %c0_i32, %c0_i32_0 : i32, i32, i32
  }
}

</mosaic_0001>

<sc_bundles>
// kernel: kernel.5.cloned.1.call-start
scs
__scs_entry_jumppad:
0x0: {  	(pc) =	sbr.rel $0x88, $3  }
0x1: {  	(tag) =	ssettag $0x0;
	lr =	simm.s32 $0x1  }
0x2: {  	[smem:$0x3F8E] =	sst lr;
	_ =	strace $0xD0000000  }
0x3: {  	_ = 	snop  }
0x4: {  	_ = 	snop  }
0x5: {  	_ = 	snop  }
0x6: {  	_ = 	snop  }
0x7: {  	_ = 	snop  }
__scs_overlays_trampoline_lowered:
0x8: {  	[smem:$0x3F9D] =	sst s0  }
0x9: {  	[smem:$0x3F9E] =	sst s1  }
0xa: {  	[smem:$0x3F9F] =	sst s2  }
0xb: {  	[smem:$0x3FA0] =	sst s3  }
0xc: {  	[smem:$0x3FA1] =	sst s4  }
0xd: {  	[smem:$0x3FA2] =	sst s5  }
0xe: {  	[smem:$0x3FA3] =	sst s6  }
0xf: {  	[smem:$0x3FA4] =	sst s7  }
0x10: {  	[smem:$0x3FA5] =	sst s8  }
0x11: {  	[smem:$0x3FA6] =	sst s9;
	s0 =	simm.s32 @!p0 $0x0  }
0x12: {  	s1 =	sld [smem:$0x3F8C];
	s0 =	simm.s32 @p0 $0x1  }
0x13: {  	[smem:$0x3FA7] =	sst s0;
	s0 =	simm.s32 @!p1 $0x0  }
0x14: {  	s2 =	sld [smem:$0x3F8B];
	s0 =	simm.s32 @p1 $0x1  }
0x15: {  	[smem:$0x3FA8] =	sst s0;
	s0 =	simm.s32 @!p2 $0x0  }
0x16: {  	s3 =	sld [smem:$0x3FDB];
	s0 =	simm.s32 @p2 $0x1  }
0x17: {  	s4 =	simm.s32 $0x1BF5;
	[smem:$0x3FAA] =	sst s0  }
0x18: {  	s0 =	sld [smem:$0x3F8D];
	_ =	swait.ge [sflag:s4], $0x0  }
0x19: {  	s7 =	sld [smem:$0x3F8E]  }
0x1a: {  	s8 =	sadd.s32 $0xFFFFE003, lr  }
0x1b: {  	s9 =	sadd.s32 $0xFFFFFEF7, lr;
	s5 =	simm.s32 $0xFFFFFFFF;
	p2 =	slt.u32 s8, $0xFFFFF086  }
0x1c: {  	p1 =	slt.u32 s9, $0xF7A;
	s5 =	simm.s32 @!p2 $0x0  }
0x1d: {  	s5 =	simm.s32 @p1 $0x1;
	p0 =	seq.s32 s7, s2  }
0x1e: {  	s7 =	smul.u32 @!p0 $0xF7A, s2;
	p2 =	seq.s32 @!p0 s5, $0x0  }
0x1f: {  	s9 =	smul.u32 $0xF7A, s1;
	s8 =	simm.s32 @!p0 $0x1BF5;
	p2 =	por !p2, p0  }
0x20: {  	[sflag:s8] =	ssyncset.s32 @!p0 $0xFFFFF086;
	s6 =	sadd.s32 @!p0 s3, s7;
	s7 =	simm.s32 @!p0 $0x108  }
0x21: {  	s3 =	sadd.s32 s3, s9;
	s6 =	sadd.s32 @!p0 $0x88, s6;
	s7 =	simm.s32 @p2 $0x1082  }
0x22: {  	[simem:s7], [sflag:s8] =	dma.local @!p0 [hbm:s6], $0xF7A  }
0x23: {  	s9 =	sor.u32 $0xD0000000, s2;
	s6 =	simm.s32 $0x108;
	_ =	swait.ge @!p0 [sflag:s8], $0x0  }
0x24: {  	s3 =	sadd.s32 $0x88, s3;
	s6 =	simm.s32 @!p1 $0x1082;
	[sflag:s4] =	ssyncset.s32 $0xFFFFF086  }
0x25: {  	[simem:s6], [sflag:s4] =	dma.local [hbm:s3], $0xF7A  }
0x26: {  	[smem:$0x3F8E] =	sst s1;
	(tag) =	ssettag s2;
	_ =	strace s9  }
0x27: {  	s1 =	sld [smem:$0x3F9E]  }
0x28: {  	s2 =	sld [smem:$0x3F9F]  }
0x29: {  	s4 =	sld [smem:$0x3FA1]  }
0x2a: {  	p0 =	seq.s32 s5, $0x0;
	s5 =	sld [smem:$0x3FA2]  }
0x2b: {  	s6 =	sld [smem:$0x3FA3]  }
0x2c: {  	s7 =	sld [smem:$0x3FA4]  }
0x2d: {  	s3 =	simm.s32 $0x108;
	s8 =	sld [smem:$0x3FA5]  }
0x2e: {  	s3 =	simm.s32 @!p0 $0x1082;
	s9 =	sld [smem:$0x3FA6]  }
0x2f: {  	lr =	sadd.s32 s0, s3;
	s0 =	sld [smem:$0x3F9D]  }
0x30: {  	s3 =	sld [smem:$0x3FA0]  }
0x31: {  	[smem:$0x3FA9] =	sst s10  }
0x32: {  	s10 =	sld [smem:$0x3FA7];
	_ =	sdelay $0x3  }
0x33: {  	p0 =	seq.s32 s10, $0x1;
	s10 =	sld [smem:$0x3FA9];
	_ =	sdelay $0x3  }
0x34: {  	[smem:$0x3FA9] =	sst s10  }
0x35: {  	s10 =	sld [smem:$0x3FA8];
	_ =	sdelay $0x3  }
0x36: {  	p1 =	seq.s32 s10, $0x1;
	s10 =	sld [smem:$0x3FA9];
	_ =	sdelay $0x3  }
0x37: {  	[smem:$0x3FA9] =	sst s10  }
0x38: {  	s10 =	sld [smem:$0x3FAA]  }
0x39: {  	_ = 	snop;
	(pc) =	sbr.ind lr, $3  }
0x3a: {  	_ = 	snop  }
0x3b: {  	_ = 	snop  }
0x3c: {  	p2 =	seq.s32 s10, $0x1;
	s10 =	sld [smem:$0x3FA9]  }
0x3d: {  	_ =	shalt  }
0x3e: {  	_ =	shalt  }
0x3f: {  	_ =	shalt  }
0x40: {  	_ =	shalt  }
0x41: {  	_ =	shalt  }
0x42: {  	_ =	shalt  }
0x43: {  	_ =	shalt  }
0x44: {  	_ =	shalt  }
0x45: {  	_ =	shalt  }
0x46: {  	_ =	shalt  }
0x47: {  	_ =	shalt  }
0x48: {  	_ =	shalt  }
0x49: {  	_ =	shalt  }
0x4a: {  	_ =	shalt  }
0x4b: {  	_ =	shalt  }
0x4c: {  	_ =	shalt  }
0x4d: {  	_ =	shalt  }
0x4e: {  	_ =	shalt  }
0x4f: {  	_ =	shalt  }
0x50: {  	_ =	shalt  }
0x51: {  	_ =	shalt  }
0x52: {  	_ =	shalt  }
0x53: {  	_ =	shalt  }
0x54: {  	_ =	shalt  }
0x55: {  	_ =	shalt  }
0x56: {  	_ =	shalt  }
0x57: {  	_ =	shalt  }
0x58: {  	_ =	shalt  }
0x59: {  	_ =	shalt  }
0x5a: {  	_ =	shalt  }
0x5b: {  	_ =	shalt  }
0x5c: {  	_ =	shalt  }
0x5d: {  	_ =	shalt  }
0x5e: {  	_ =	shalt  }
0x5f: {  	_ =	shalt  }
0x60: {  	_ =	shalt  }
0x61: {  	_ =	shalt  }
0x62: {  	_ =	shalt  }
0x63: {  	_ =	shalt  }
0x64: {  	_ =	shalt  }
0x65: {  	_ =	shalt  }
0x66: {  	_ =	shalt  }
0x67: {  	_ =	shalt  }
0x68: {  	_ =	shalt  }
0x69: {  	_ =	shalt  }
0x6a: {  	_ =	shalt  }
0x6b: {  	_ =	shalt  }
0x6c: {  	_ =	shalt  }
0x6d: {  	_ =	shalt  }
0x6e: {  	_ =	shalt  }
0x6f: {  	_ =	shalt  }
0x70: {  	_ =	shalt  }
0x71: {  	_ =	shalt  }
0x72: {  	_ =	shalt  }
0x73: {  	_ =	shalt  }
0x74: {  	_ =	shalt  }
0x75: {  	_ =	shalt  }
0x76: {  	_ =	shalt  }
0x77: {  	_ =	shalt  }
0x78: {  	_ =	shalt  }
0x79: {  	_ =	shalt  }
0x7a: {  	_ =	shalt  }
0x7b: {  	_ =	shalt  }
0x7c: {  	_ =	shalt  }
0x7d: {  	_ =	shalt  }
0x7e: {  	_ =	shalt  }
0x7f: {  	_ =	shalt  }
0x80: {  	_ =	shalt  }
0x81: {  	_ =	shalt  }
0x82: {  	_ =	shalt  }
0x83: {  	_ =	shalt  }
0x84: {  	_ =	shalt  }
0x85: {  	_ =	shalt  }
0x86: {  	_ =	shalt  }
0x87: {  	_ =	shalt  }
.Lfunc_end0:
.L_simem_size_0:
called_computation.2_lowered:
.L_overlay_start_0:
0x88: {  	s2 =	sld [smem:$0x3FD9]  }
0x89: {  	s3 =	sld [smem:$0x3FFE];
	_ =	sdelay $0x1  }
0x8a: {  	s1 =	srdreg.scid  }
0x8b: {  	s0 =	sand.u32 $0x1, s1  }
0x8c: {  	s17 =	sshll.u32 s0, $0xA;
	s2 =	sadd.s32 s3, s2  }
0x8d: {  	s2 =	sadd.s32 s2, s17  }
0x8e: {  	[smem:$0x3FB5] =	sst s2  }
0x8f: {  	_ = 	snop  }
0x90: {  	s2 =	sld [smem:$0x3FD0];
	(tm) =	ssettm $0x1  }
0x91: {  	s18 =	sld [smem:$0x3FFB];
	_ =	sdelay $0x3  }
0x92: {  	_ =	strace s18  }
0x93: {  	s3 =	sld [smem:$0x3FFC];
	_ =	sdelay $0x3  }
0x94: {  	_ =	strace s3  }
0x95: {  	s3 =	sld [smem:$0x3FFD];
	_ =	sdelay $0x3  }
0x96: {  	_ =	strace s3  }
0x97: {  	_ =	strace $0x8FFFFFFF  }
0x98: {  	s19 =	sld [smem:$0x3FDB];
	_ =	sdelay $0x1  }
0x99: {  	s4 =	simm.s32 $_scs_section_size  }
0x9a: {  	s5 =	simm.s32 $_size__tile_overlayer_lowered;
	s6 =	simm.s32 $_tile_overlayer_lowered  }
0x9b: {  	s22 =	simm.s32 $0x1BFF;
	s21 =	sshll.u32 s6, $0x1;
	s3 =	sadd.s32 s4, s19  }
0x9c: {  	s7 =	simm.s32 $0x0;
	s20 =	sshll.u32 s5, $0x1;
	s5 =	sadd.s32 s21, s3  }
0x9d: {  	[timem:s7], [sflag:s22] =	dma.local [hbm:s5], s20  }
0x9e: {  	_ =	swait.ge [sflag:s22], s20  }
0x9f: {  	s4 =	ssub.s32 $0x0, s20;
	[sflag:s22] =	ssyncset.done $0x0  }
0xa0: {  	[sflag:s22] =	ssyncadd.s32 s4;
	_ =	sdelay $0x1  }
0xa1: {  	s23 =	simm.s32 $0x1B8B  }
0xa2: {  	_ =	swait.ge [sflag:s23], $0x1  }
0xa3: {  	[sflag:s23] =	ssyncset.done $0x0  }
0xa4: {  	s25 =	simm.s32 $0x1B8E;
	s24 =	sld [smem:$0x3FFE];
	[sflag:s23] =	ssyncadd.s32 $0xFFFFFFFF  }
0xa5: {  	s26 =	simm.s32 $execute0_lowered;
	[smem:$0x3FD2] =	sst s25  }
0xa6: {  	s5 =	sshll.u32 s26, $0x1;
	_ =	strace $0x80000049;
	[dreg:$0x1] =	wrdreg $0xFFFFFFFF  }
0xa7: {  	s28 =	simm.s32 $_size_execute0_lowered;
	s3 =	sadd.s32 s3, s5;
	[dreg:$0x0] =	wrdreg $0x0  }
0xa8: {  	s5 =	sshll.u32 s28, $0x1;
	[dreg:$0x2] =	wrdreg s3  }
0xa9: {  	[dreg:$0x3] =	wrdreg s5  }
0xaa: {  	[dreg:$0x4] =	wrdreg $0xC0  }
0xab: {  	_ =	task [dreg:s7], $0x5FFFF  }
0xac: {  	[dreg:$0x1] =	wrdreg $0xFFFFFFFF  }
0xad: {  	[dreg:$0x0] =	wrdreg $0x60  }
0xae: {  	[dreg:$0x2] =	wrdreg s24  }
0xaf: {  	[dreg:$0x3] =	wrdreg s2  }
0xb0: {  	[dreg:$0x4] =	wrdreg $0x9  }
0xb1: {  	_ =	task.clear_ibuf [dreg:s7], $0x5FFFF;
	_ =	strace $0x90000049  }
0xb2: {  	s29 =	simm.s32 $0x9;
	_ =	strace $0x8000004B  }
0xb3: {  	_ =	swait.ge [sflag:s29], $0x1  }
0xb4: {  	[sflag:s29] =	ssyncadd.s32 $0xFFFFFFFF  }
0xb5: {  	_ =	strace $0x9000004B  }
0xb6: {  	_ =	sfence  }
0xb7: {  	s30 =	sld [smem:$0x0];
	_ =	sdelay $0x2  }
0xb8: {  	s31 =	sshll.u32 s1, $0xD;
	s1 =	sshrl.u32 s1, $0x2  }
0xb9: {  	s3 =	sand.u32 $0x4000, s31;
	s1 =	sadd.s32 s1, s30  }
0xba: {  	s0 =	sor.u32 s3, s0;
	s1 =	sshll.u32 s1, $0x11  }
0xbb: {  	s0 =	sor.u32 s1, s0  }
0xbc: {  	s0 =	sadd.s32 $0x8F2B, s0  }
0xbd: {  	[sflag:s0] =	ssyncadd.remote.s32 $0x1  }
0xbe: {  	_ =	sfence.sel $0xFFFF  }
0xbf: {  	[dreg:$0x0] =	wrdreg $0xFFFFFFFF;
	(pc) =	sbr.abs _section_cstart, $3  }
0xc0: {  	[dreg:$0x1] =	wrdreg $0xFFFFFFFF  }
0xc1: {  	_ =	task.clear_ibuf [dreg:s7], $0x2FFFF;
	_ =	strace $0x9FFFFFFF  }
0xc2: {  	(tm) =	ssettm $0x7FFFFFFF  }
0xc3: {  	_ =	shalt  }
tec
execute0_lowered:
.L_overlay_start_1:
0x0: {  	(tag) =	ssettag $0x1  }
0x1: {  	s5 =	rddreg [dreg:$0x0]  }
0x2: {  	s6 =	rddreg [dreg:$0x1]  }
0x3: {  	s0 =	rddreg [dreg:$0x2];
	s1 =	simm.s32 $0x0  }
0x4: {  	s2 =	srdreg.scid;
	[smem:$0x7FF] =	sst s1  }
0x5: {  	s7 =	sand.u32 $0x1, s2;
	s3 =	sadd.s32 $0xA00000, s5;
	s2 =	stileid.u32  }
0x6: {  	_ =	strace $0x8000004A;
	s4 =	ssub.s32 $0x2, s7;
	s31 =	sshll.u32 s2, $0xE  }
0x7: {  	s9 =	sshll.u32 s7, $0xD;
	s10 =	sshll.u32 s2, $0x12;
	s7 =	sshll.u32 s7, $0x11  }
0x8: {  	s8 =	sshrl.u32 s4, $0x1;
	s5 =	sadd.s32 s10, s5;
	s10 =	simm.s32 $0x0  }
0x9: {  	s4 =	ssub.s32 s4, s8;
	s8 =	sor.u32 s9, s31;
	s5 =	sadd.s32 s7, s5  }
0xa: {  	s7 =	simm.s32 $0x2;
	s9 =	simm.s32 $0x1;
	s8 =	sshrl.u32 s8, $0x3  }
0xb: {  	s4 =	smax.u32 s4, $0x1;
	s6 =	sadd.s32 s8, s6;
	s8 =	simm.s32 $0x200  }
.LBB2_1:
0xc: {  	s11 =	sadd.s32 $0x0, s6  }
0xd: {  	[tilespmem:s1], [sflag:$0x2] =	stream.linear.gather [hbm4b:s11+s1], $0x200, $0x38;
	[tilespmem:$0x10200] =	vst v63  }
0xe: {  	_ =	swait.ge [sflag:s7], $0x200  }
0xf: {  	[sflag:s7] =	ssyncset.done $0x0  }
0x10: {  	[sflag:s7] =	ssyncadd.s32 $0xFFFFFE00  }
0x11: {  	[tilespmem:s8], [sflag:$0x1] =	stream.indirect.gather [hbm4b:s3+s8], $0x80, s1, s8, $0xb8;
	[tilespmem:$0x10200] =	vst v63  }
0x12: {  	_ =	swait.ge [sflag:s9], $0x10000  }
0x13: {  	[sflag:s9] =	ssyncset.done $0x0  }
0x14: {  	[sflag:s9] =	ssyncadd.s32 $0xFFFF0000  }
0x15: {  	[hbm4b:s5+s1] =	stream.linear.scatter [tilespmem:s8], [sflag:$0x2], $0x10000, $0x38;
	[tilespmem:$0x10200] =	vst v63  }
0x16: {  	s12 =	simm.s32 $0x40;
	_ =	swait.ge [sflag:s7], $0x10000  }
0x17: {  	s13 =	simm.s32 $0x80;
	s11 =	sadd.s32 $0x2000, s5;
	[sflag:s7] =	ssyncset.done $0x0  }
.LBB2_2:
0x18: {  	s14 =	sadd.s32 s12, s6  }
0x19: {  	[sflag:s7] =	ssyncadd.s32 $0xFFFF0000;
	s12 =	smov.u32 s13;
	s15 =	sadd.s32 $0x40, s13  }
0x1a: {  	[tilespmem:s1], [sflag:$0x2] =	stream.linear.gather [hbm4b:s14+s1], $0x200, $0x38;
	[tilespmem:$0x10200] =	vst v63  }
0x1b: {  	p0 =	sne.s32 s13, $0x3C0;
	_ =	swait.ge [sflag:s7], $0x200  }
0x1c: {  	[sflag:s7] =	ssyncset.done $0x0  }
0x1d: {  	[sflag:s7] =	ssyncadd.s32 $0xFFFFFE00  }
0x1e: {  	[tilespmem:s8], [sflag:$0x1] =	stream.indirect.gather [hbm4b:s3+s8], $0x80, s1, s8, $0xb8;
	[tilespmem:$0x10200] =	vst v63  }
0x1f: {  	_ =	swait.ge [sflag:s9], $0x10000  }
.Ltmp0:
0x20: {  	[sflag:s9] =	ssyncset.done $0x0;
	(pc) =	sbr.rel @p0 .LBB2_2-.Ltmp0, $4  }
0x21: {  	[sflag:s9] =	ssyncadd.s32 $0xFFFF0000  }
0x22: {  	[hbm4b:s11+s1] =	stream.linear.scatter [tilespmem:s8], [sflag:$0x2], $0x10000, $0x38;
	[tilespmem:$0x10200] =	vst v63  }
0x23: {  	_ =	swait.ge [sflag:s7], $0x10000  }
0x24: {  	s13 =	smov.u32 s15;
	s11 =	sadd.s32 $0x2000, s11;
	[sflag:s7] =	ssyncset.done $0x0  }
0x25: {  	s12 =	sadd.s32 s12, s6;
	[sflag:s7] =	ssyncadd.s32 $0xFFFF0000  }
0x26: {  	[tilespmem:s1], [sflag:$0x2] =	stream.linear.gather [hbm4b:s12+s1], $0x200, $0x38;
	[tilespmem:$0x10200] =	vst v63  }
0x27: {  	_ =	swait.ge [sflag:s7], $0x200  }
0x28: {  	[sflag:s7] =	ssyncset.done $0x0  }
0x29: {  	[sflag:s7] =	ssyncadd.s32 $0xFFFFFE00  }
0x2a: {  	[tilespmem:s8], [sflag:$0x1] =	stream.indirect.gather [hbm4b:s3+s8], $0x80, s1, s8, $0xb8;
	[tilespmem:$0x10200] =	vst v63  }
0x2b: {  	s10 =	sadd.s32 $0x1, s10;
	_ =	swait.ge [sflag:s9], $0x10000  }
0x2c: {  	p0 =	sne.s32 s10, s4;
	[sflag:s9] =	ssyncset.done $0x0  }
.Ltmp1:
0x2d: {  	[sflag:s9] =	ssyncadd.s32 $0xFFFF0000;
	(pc) =	sbr.rel @p0 .LBB2_1-.Ltmp1, $4  }
0x2e: {  	[hbm4b:s11+s1] =	stream.linear.scatter [tilespmem:s8], [sflag:$0x2], $0x10000, $0x38;
	[tilespmem:$0x10200] =	vst v63  }
0x2f: {  	_ =	swait.ge [sflag:s7], $0x10000  }
0x30: {  	[sflag:s7] =	ssyncset.done $0x0  }
0x31: {  	[sflag:s7] =	ssyncadd.s32 $0xFFFF0000  }
0x32: {  	_ =	sfence.sel $0x180000  }
0x33: {  	[bflag:$0x0] =	sbarrier.arrive $0xFFFF  }
0x34: {  	p0 =	sne.s32 s2, $0x0;
	_ =	strace $0x9000004A  }
0x35: {  	s0 =	sadd.s32 @!p0 $0x100000, s0;
	[bflag:$0x2] =	sbarrier.arrive $0xFFFF  }
0x36: {  	[sflag:s0] =	ssyncadd.tile.s32 @!p0 $0x1;
	_ =	shalt  }
.Lfunc_end2:
_tile_overlayer_lowered:
.L_overlay_start_2:
0x37: {  	(tag) =	ssettag $0x2  }
0x38: {  	s0 =	rddreg [dreg:$0x0];
	s2 =	stileid.u32  }
0x39: {  	s1 =	rddreg [dreg:$0x1];
	p0 =	sne.s32 s2, $0x0  }
0x3a: {  	s3 =	rddreg [dreg:$0x2];
	[bflag:$0x3] =	sbarrier.arrive $0xFFFF;
	s2 =	simm.s32 @!p0 $0x1C02  }
0x3b: {  	[timem:s3], [sflag:s2] =	dma.local @!p0 [hbm:s0], s1  }
0x3c: {  	s0 =	simm.s32 @!p0 $0x2  }
0x3d: {  	_ =	swait.ge @!p0 [sflag:s0], s1  }
0x3e: {  	s1 =	ssub.s32 @!p0 $0x0, s1;
	[sflag:s0] =	ssyncset.done @!p0 $0x0  }
0x3f: {  	[sflag:s0] =	ssyncadd.s32 @!p0 s1  }
0x40: {  	[bflag:$0x3] =	sbarrier.arrive $0xFFFF  }
0x41: {  	_ =	shalt  }

// kernel: sparse-core-data-format-call.1.cloned.1.call-start
scs
called_computation.1_lowered:
.L_overlay_start_0:
0x0: {  	s1 =	sld [smem:$0x3FD9]  }
0x1: {  	s2 =	sld [smem:$0x3FFE];
	_ =	sdelay $0x1  }
0x2: {  	s3 =	srdreg.scid  }
0x3: {  	s0 =	sand.u32 $0x1, s3  }
0x4: {  	s17 =	sshll.u32 s0, $0xA;
	s1 =	sadd.s32 s2, s1  }
0x5: {  	s1 =	sadd.s32 s1, s17  }
0x6: {  	[smem:$0x3FB5] =	sst s1  }
0x7: {  	_ = 	snop  }
0x8: {  	(tm) =	ssettm $0x1  }
0x9: {  	s18 =	sld [smem:$0x3FFB];
	_ =	sdelay $0x3  }
0xa: {  	_ =	strace s18  }
0xb: {  	s1 =	sld [smem:$0x3FFC];
	_ =	sdelay $0x3  }
0xc: {  	_ =	strace s1  }
0xd: {  	s1 =	sld [smem:$0x3FFD];
	_ =	sdelay $0x3  }
0xe: {  	_ =	strace s1  }
0xf: {  	_ =	strace $0x8FFFFFFF  }
0x10: {  	s19 =	sld [smem:$0x3FDB];
	_ =	sdelay $0x1  }
0x11: {  	s20 =	simm.s32 $_scs_section_size  }
0x12: {  	s4 =	simm.s32 $_size__tile_overlayer_lowered;
	s5 =	simm.s32 $_tile_overlayer_lowered  }
0x13: {  	s23 =	simm.s32 $0x1BFF;
	s22 =	sshll.u32 s5, $0x1;
	s1 =	sadd.s32 s20, s19  }
0x14: {  	s6 =	simm.s32 $0x0;
	s21 =	sshll.u32 s4, $0x1;
	s4 =	sadd.s32 s22, s1  }
0x15: {  	[timem:s6], [sflag:s23] =	dma.local [hbm:s4], s21  }
0x16: {  	_ =	swait.ge [sflag:s23], s21  }
0x17: {  	s2 =	ssub.s32 $0x0, s21;
	[sflag:s23] =	ssyncset.done $0x0  }
0x18: {  	[sflag:s23] =	ssyncadd.s32 s2;
	_ =	sdelay $0x1  }
0x19: {  	s24 =	simm.s32 $0x1B8B  }
0x1a: {  	_ =	swait.ge [sflag:s24], $0x1  }
0x1b: {  	[sflag:s24] =	ssyncset.done $0x0  }
0x1c: {  	s26 =	simm.s32 $0x1B8E;
	s25 =	sld [smem:$0x3FFE];
	[sflag:s24] =	ssyncadd.s32 $0xFFFFFFFF  }
0x1d: {  	s27 =	simm.s32 $execute0_lowered;
	[smem:$0x3FD2] =	sst s26  }
0x1e: {  	s4 =	sshll.u32 s27, $0x1;
	_ =	strace $0x80000046;
	[dreg:$0x1] =	wrdreg $0xFFFFFFFF  }
0x1f: {  	s28 =	simm.s32 $_size_execute0_lowered;
	s1 =	sadd.s32 s1, s4;
	[dreg:$0x0] =	wrdreg $0x0  }
0x20: {  	s4 =	sshll.u32 s28, $0x1;
	[dreg:$0x2] =	wrdreg s1  }
0x21: {  	[dreg:$0x3] =	wrdreg s4  }
0x22: {  	[dreg:$0x4] =	wrdreg $0xC0  }
0x23: {  	_ =	task [dreg:s6], $0x5FFFF  }
0x24: {  	[dreg:$0x1] =	wrdreg $0xFFFFFFFF  }
0x25: {  	[dreg:$0x0] =	wrdreg $0x60  }
0x26: {  	[dreg:$0x2] =	wrdreg s25  }
0x27: {  	[dreg:$0x3] =	wrdreg $0x9  }
0x28: {  	_ =	task.clear_ibuf [dreg:s6], $0x4FFFF;
	_ =	strace $0x90000046  }
0x29: {  	s29 =	simm.s32 $0x9;
	_ =	strace $0x80000048  }
0x2a: {  	_ =	swait.ge [sflag:s29], $0x1  }
0x2b: {  	[sflag:s29] =	ssyncadd.s32 $0xFFFFFFFF  }
0x2c: {  	_ =	strace $0x90000048  }
0x2d: {  	_ =	sfence  }
0x2e: {  	s30 =	sld [smem:$0x0];
	_ =	sdelay $0x2  }
0x2f: {  	s31 =	sshll.u32 s3, $0xD;
	s3 =	sshrl.u32 s3, $0x2  }
0x30: {  	s2 =	sand.u32 $0x4000, s31;
	s1 =	sadd.s32 s3, s30  }
0x31: {  	s0 =	sor.u32 s2, s0;
	s1 =	sshll.u32 s1, $0x11  }
0x32: {  	s0 =	sor.u32 s1, s0  }
0x33: {  	s0 =	sadd.s32 $0x8F2B, s0  }
0x34: {  	[sflag:s0] =	ssyncadd.remote.s32 $0x1  }
0x35: {  	_ =	sfence.sel $0xFFFF  }
0x36: {  	[dreg:$0x0] =	wrdreg $0xFFFFFFFF;
	(pc) =	sbr.abs _section_cstart, $3  }
0x37: {  	[dreg:$0x1] =	wrdreg $0xFFFFFFFF  }
0x38: {  	_ =	task.clear_ibuf [dreg:s6], $0x2FFFF;
	_ =	strace $0x9FFFFFFF  }
0x39: {  	(tm) =	ssettm $0x7FFFFFFF  }
tec
execute0_lowered:
.L_overlay_start_1:
0x0: {  	(tag) =	ssettag $0x1  }
0x1: {  	s0 =	srdreg.scid;
	s3 =	rddreg [dreg:$0x0];
	s5 =	simm.s32 $0x1  }
0x2: {  	s7 =	simm.s32 $0x2;
	s15 =	simm.s32 $0x0;
	p0 =	por $0x0, $0x0  }
0x3: {  	s8 =	simm.s32 $0x1000;
	s13 =	simm.s32 $0x0;
	s1 =	sshll.u32 s0, $0x7  }
0x4: {  	s14 =	simm.s32 $0x0;
	s9 =	simm.s32 $0x0;
	s1 =	sand.u32 $0x80, s1  }
0x5: {  	s0 =	rddreg [dreg:$0x1];
	_ =	strace $0x80000047;
	s6 =	ssub.s32 $0x200, s1  }
.Ltmp0:
0x6: {  	s2 =	sadd.s32 $0x100000, s3;
	s31 =	sshrl.u32 s6, $0x7;
	(pc) =	sbr.rel .LBB1_1-.Ltmp0, $4  }
0x7: {  	s4 =	sadd.s32 $0x500000, s3;
	s6 =	sshrl.u32 s6, $0x8;
	s3 =	sand.u32 $0x1, s31  }
0x8: {  	s11 =	stileid.u32;
	[sflag:s5] =	ssyncpa.u1 $0x0;
	s6 =	sadd.s32 s6, s3  }
0x9: {  	s12 =	simm.s32 $0x0;
	[sflag:s7] =	ssyncpa.u1 $0x0;
	s6 =	sshll.u32 s6, $0x5  }
0xa: {  	s10 =	smov.u32 s1;
	s3 =	stileid.u32;
	s7 =	sor.u32 $0x1, s6  }
.LBB1_4:
0xb: {  	v5 =	vld [tilespmem:s18+$0xFFFFFFD0]  }
0xc: {  	[tilespmem:s19+$0x2040 ss:$0x81] =	vst.msk $0xffff, v1;
	v58 =	vld [tilespmem:s18+$0xFFFFFFE0]  }
0xd: {  	[tilespmem:s19+$0x2850 ss:$0x81] =	vst.msk $0xffff, v2;
	v59 =	vld [tilespmem:s18+$0xFFFFFFF0]  }
0xe: {  	s20 =	sshra.s32 s20, $0x2;
	[tilespmem:s19+$0x3060 ss:$0x81] =	vst.msk $0xffff, v3;
	v60 =	vld [tilespmem:s18+$0x0]  }
0xf: {  	[tilespmem:s19+$0x0 ss:$0x81] =	vst.msk $0xffff, v0;
	v61 =	vld [tilespmem:s18+$0x10];
	s17 =	sadd.s32 s20, s17  }
0x10: {  	s25 =	sshll.u32 s15, $0x9;
	v62 =	vld [tilespmem:s18+$0x20];
	[tilespmem:s17+$0x3870 ss:$0x81] =	vst.msk $0xffff, v4  }
0x11: {  	s26 =	sshll.u32 s13, $0x3;
	s27 =	sshll.u32 s15, $0x7;
	v63 =	vld [tilespmem:s18+$0xFFFFFFC0];
	s30 =	sand.u32 $0x78, s13;
	[tilespmem:s17+$0x810 ss:$0x81] =	vst.msk $0xffff, v5  }
0x12: {  	s14 =	sshll.u32 s14, $0x12;
	s19 =	sand.u32 $0x1FF000, s25;
	s20 =	sand.u32 $0x1FFC00, s26;
	[tilespmem:s17+$0x1020 ss:$0x81] =	vst.msk $0xffff, v58  }
0x13: {  	s29 =	sand.u32 $0x200, s27;
	s15 =	sand.u32 $0x180, s27;
	s28 =	sadd.s32 s20, s19;
	[tilespmem:s17+$0x1830 ss:$0x81] =	vst.msk $0xffff, v59  }
0x14: {  	s31 =	sand.u32 $0x7, s13;
	s15 =	sor.u32 s30, s15;
	s18 =	sor.u32 s29, s28;
	[tilespmem:s17+$0x2040 ss:$0x81] =	vst.msk $0xffff, v60  }
0x15: {  	s14 =	sadd.s32 s4, s14;
	s15 =	sshrl.u32 s15, $0x3;
	s18 =	sshrl.u32 s18, $0x3;
	[tilespmem:s17+$0x2850 ss:$0x81] =	vst.msk $0xffff, v61  }
0x16: {  	s13 =	sshll.u32 s31, $0x12;
	s14 =	sadd.s32 s15, s14;
	[tilespmem:s17+$0x3060 ss:$0x81] =	vst.msk $0xffff, v62;
	s18 =	sand.u32 $0x3FFC0, s18  }
0x17: {  	s13 =	sor.u32 $0x400, s13;
	[tilespmem:s17+$0x0 ss:$0x81] =	vst.msk $0xffff, v63;
	s14 =	sadd.s32 s18, s14  }
0x18: {  	[hbm4b:s14+s13] =	stream.strided.scatter [tilespmem:s16], [sflag:$0x2], $0x4000, s8, s13, $0x20;
	[tilespmem:$0x10100] =	vst v63  }
.LBB1_5:
0x19: {  	s16 =	sadd.s32 $0x80, s9  }
0x1a: {  	s13 =	sadd.s32 $0x100, s10;
	s17 =	smov.u32 s10;
	p2 =	sgt.s32 s16, $0xFFF  }
0x1b: {  	s17 =	smov.u32 @p2 s13  }
0x1c: {  	s19 =	smov.u32 s11;
	s13 =	sadd.s32 $0x10, s11;
	p3 =	sgt.s32 s17, $0x1FF  }
0x1d: {  	s19 =	smov.u32 @p3 s13  }
0x1e: {  	s16 =	simm.s32 @p2 $0x0;
	p2 =	sgt.s32 s19, $0xF  }
0x1f: {  	p1 =	slt.u32 s12, $0x2;
	s19 =	smov.u32 @p2 s3;
	p2 =	sne.s32 s12, s7  }
.Ltmp1:
0x20: {  	s18 =	simm.s32 @!p1 $0x2;
	(pc) =	sbr.rel @!p2 .LBB1_6-.Ltmp1, $4  }
0x21: {  	s15 =	smov.u32 s9;
	s14 =	smov.u32 s11;
	_ =	swait.ge @!p1 [sflag:s18], $0x4000  }
0x22: {  	p0 =	por !p0, !p0;
	[sflag:s18] =	ssyncset.done @!p1 $0x0;
	s9 =	smov.u32 s16  }
0x23: {  	s17 =	smov.u32 @p3 s1;
	s13 =	smov.u32 s10;
	[sflag:s18] =	ssyncadd.s32 @!p1 $0xFFFFC000  }
0x24: {  	s10 =	smov.u32 s17;
	s12 =	sadd.s32 $0x1, s12;
	s11 =	smov.u32 s19  }
.LBB1_1:
0x25: {  	p1 =	sge.u32 s12, s6;
	s31 =	sadd.s32 $0xFFFFFFFF, s12  }
0x26: {  	s16 =	sxor.u32 @!p1 $0xFFFFFFFF, s12;
	s17 =	sand.u32 @!p1 $0x78, s9;
	s18 =	sshll.u32 @!p1 s10, $0xC  }
0x27: {  	s19 =	sshll.u32 @!p1 s10, $0x7;
	s20 =	sshll.u32 @!p1 s9, $0x3;
	s16 =	sshll.u32 @!p1 s16, $0xE  }
0x28: {  	s18 =	sand.u32 @!p1 $0x1F8000, s18;
	s19 =	sand.u32 @!p1 $0x380, s19;
	s16 =	sand.u32 @!p1 $0x4000, s16  }
0x29: {  	s18 =	sadd.s32 @!p1 s18, s20;
	s20 =	sand.u32 @!p1 $0xC00, s20;
	s17 =	sor.u32 @!p1 s19, s17  }
0x2a: {  	s19 =	sshll.u32 @!p1 s11, $0x12;
	s17 =	sor.u32 @!p1 s20, s17;
	s18 =	sshrl.u32 @!p1 s18, $0x3  }
0x2b: {  	s19 =	sadd.s32 @!p1 s2, s19;
	s20 =	sand.u32 @!p1 $0x7, s9;
	s18 =	sand.u32 @!p1 $0x3FE00, s18  }
0x2c: {  	s17 =	sshrl.u32 @!p1 s17, $0x3;
	s18 =	sadd.s32 @!p1 s18, s19;
	s19 =	sshll.u32 @!p1 s20, $0x12  }
0x2d: {  	s17 =	sadd.s32 @!p1 s17, s18;
	s18 =	sor.u32 @!p1 $0x400, s19;
	s19 =	simm.s32 @!p1 $0x8000  }
0x2e: {  	[tilespmem:s16], [sflag:$0x1] =	stream.strided.gather @!p1 [hbm4b:s17+s18], $0x4000, s19, s18, $0x38;
	[tilespmem:$0x10100] =	vst v63  }
0x2f: {  	p1 =	sge.u32 s31, s6  }
.Ltmp2:
0x30: {  	_ = 	snop;
	(pc) =	sbr.rel @p1 .LBB1_5-.Ltmp2, $1  }
0x31: {  	_ =	sdelay $0x3  }
0x32: {  	s16 =	simm.s32 $0x1  }
0x33: {  	_ =	swait.ge [sflag:s5], $0x4000;
	s16 =	simm.s32 @!p0 $0x0  }
0x34: {  	[sflag:s5] =	ssyncset.done $0x0;
	s17 =	sshll.u32 s16, $0xE  }
0x35: {  	[sflag:s5] =	ssyncadd.s32 $0xFFFFC000;
	s18 =	sor.u32 $0x40, s17  }
0x36: {  	s16 =	smul.u32 $0x10200, s16;
	v0 =	vld [tilespmem:s18+$0x30]  }
0x37: {  	v3 =	vld [tilespmem:s18+$0xFFFFFFD0]  }
0x38: {  	s16 =	sshrl.u32 s16, $0x2;
	v4 =	vld [tilespmem:s18+$0xFFFFFFE0]  }
0x39: {  	v5 =	vld [tilespmem:s18+$0xFFFFFFF0];
	s17 =	sor.u32 $0x8000, s16  }
0x3a: {  	s31 =	sand.u32 $0x1, s12;
	v1 =	vld [tilespmem:s18+$0x0];
	s19 =	sadd.s32 $0x0, s17  }
0x3b: {  	v2 =	vld [tilespmem:s18+$0x10];
	s16 =	smul.u32 $0x10200, s31;
	[tilespmem:s19+$0x3870 ss:$0x81] =	vst.msk $0xffff, v0  }
0x3c: {  	[tilespmem:s19+$0x810 ss:$0x81] =	vst.msk $0xffff, v3;
	v3 =	vld [tilespmem:s18+$0x20]  }
0x3d: {  	s16 =	sshrl.u32 s16, $0x2;
	v0 =	vld [tilespmem:s18+$0xFFFFFFC0];
	[tilespmem:s19+$0x1020 ss:$0x81] =	vst.msk $0xffff, v4;
	s18 =	sadd.s32 $0x80, s18  }
0x3e: {  	s20 =	simm.s32 $0x4;
	s21 =	simm.s32 $0x8;
	s16 =	sor.u32 $0x8000, s16;
	[tilespmem:s19+$0x1830 ss:$0x81] =	vst.msk $0xffff, v5;
	v4 =	vld [tilespmem:s18+$0x30]  }
.LBB1_3:
0x3f: {  	p1 =	sne.s32 s21, $0x1FC;
	v5 =	vld [tilespmem:s18+$0xFFFFFFD0];
	[tilespmem:s19+$0x2040 ss:$0x81] =	vst.msk $0xffff, v1  }
0x40: {  	v6 =	vld [tilespmem:s18+$0xFFFFFFE0];
	[tilespmem:s19+$0x2850 ss:$0x81] =	vst.msk $0xffff, v2  }
0x41: {  	s22 =	sshra.s32 s20, $0x2;
	s20 =	smov.u32 s21;
	v7 =	vld [tilespmem:s18+$0xFFFFFFF0];
	[tilespmem:s19+$0x3060 ss:$0x81] =	vst.msk $0xffff, v3  }
.Ltmp3:
0x42: {  	v1 =	vld [tilespmem:s18+$0x0];
	[tilespmem:s19+$0x0 ss:$0x81] =	vst.msk $0xffff, v0;
	s19 =	sadd.s32 s22, s17;
	(pc) =	sbr.rel @p1 .LBB1_3-.Ltmp3, $4  }
0x43: {  	v2 =	vld [tilespmem:s18+$0x10];
	[tilespmem:s19+$0x3870 ss:$0x81] =	vst.msk $0xffff, v4  }
0x44: {  	[tilespmem:s19+$0x810 ss:$0x81] =	vst.msk $0xffff, v5;
	v3 =	vld [tilespmem:s18+$0x20]  }
0x45: {  	v0 =	vld [tilespmem:s18+$0xFFFFFFC0];
	[tilespmem:s19+$0x1020 ss:$0x81] =	vst.msk $0xffff, v6;
	s18 =	sadd.s32 $0x80, s18  }
0x46: {  	s21 =	sadd.s32 $0x4, s21;
	v4 =	vld [tilespmem:s18+$0x30];
	[tilespmem:s19+$0x1830 ss:$0x81] =	vst.msk $0xffff, v7  }
.Ltmp4:
0x47: {  	_ = 	snop;
	(pc) =	sbr.rel .LBB1_4-.Ltmp4, $1  }
0x48: {  	_ =	sdelay $0x3  }
.LBB1_6:
0x49: {  	_ =	sfence.sel $0x180000  }
0x4a: {  	s1 =	simm.s32 $0x1;
	[bflag:$0x0] =	sbarrier.arrive $0xFFFF  }
0x4b: {  	s31 =	simm.s32 $0x2;
	[sflag:s1] =	ssyncpa.u1 $0x1  }
0x4c: {  	[sflag:s31] =	ssyncpa.u1 $0x1  }
0x4d: {  	p0 =	sne.s32 s3, $0x0;
	_ =	strace $0x90000047  }
0x4e: {  	s0 =	sadd.s32 @!p0 $0x100000, s0;
	[bflag:$0x2] =	sbarrier.arrive $0xFFFF  }
0x4f: {  	[sflag:s0] =	ssyncadd.tile.s32 @!p0 $0x1;
	_ =	shalt  }
.Lfunc_end1:
_tile_overlayer_lowered:
.L_overlay_start_2:
0x50: {  	(tag) =	ssettag $0x2  }
0x51: {  	s0 =	rddreg [dreg:$0x0];
	s2 =	stileid.u32  }
0x52: {  	s1 =	rddreg [dreg:$0x1];
	p0 =	sne.s32 s2, $0x0  }
0x53: {  	s3 =	rddreg [dreg:$0x2];
	[bflag:$0x3] =	sbarrier.arrive $0xFFFF;
	s2 =	simm.s32 @!p0 $0x1C01  }
0x54: {  	[timem:s3], [sflag:s2] =	dma.local @!p0 [hbm:s0], s1  }
0x55: {  	s0 =	simm.s32 @!p0 $0x1  }
0x56: {  	_ =	swait.ge @!p0 [sflag:s0], s1  }
0x57: {  	s1 =	ssub.s32 @!p0 $0x0, s1;
	[sflag:s0] =	ssyncset.done @!p0 $0x0  }
0x58: {  	[sflag:s0] =	ssyncadd.s32 @!p0 s1  }
0x59: {  	[bflag:$0x3] =	sbarrier.arrive $0xFFFF  }
0x5a: {  	_ =	shalt  }

// kernel: sparse-core-data-format-call.cloned.1.call-start
scs
called_computation_lowered:
.L_overlay_start_0:
0x0: {  	s1 =	sld [smem:$0x3FD9]  }
0x1: {  	s2 =	sld [smem:$0x3FFE];
	_ =	sdelay $0x1  }
0x2: {  	s3 =	srdreg.scid  }
0x3: {  	s0 =	sand.u32 $0x1, s3  }
0x4: {  	s17 =	sshll.u32 s0, $0xA;
	s1 =	sadd.s32 s2, s1  }
0x5: {  	s1 =	sadd.s32 s1, s17  }
0x6: {  	[smem:$0x3FB5] =	sst s1  }
0x7: {  	_ = 	snop  }
0x8: {  	(tm) =	ssettm $0x1  }
0x9: {  	s18 =	sld [smem:$0x3FFB];
	_ =	sdelay $0x3  }
0xa: {  	_ =	strace s18  }
0xb: {  	s1 =	sld [smem:$0x3FFC];
	_ =	sdelay $0x3  }
0xc: {  	_ =	strace s1  }
0xd: {  	s1 =	sld [smem:$0x3FFD];
	_ =	sdelay $0x3  }
0xe: {  	_ =	strace s1  }
0xf: {  	_ =	strace $0x8FFFFFFF  }
0x10: {  	s19 =	sld [smem:$0x3FDB];
	_ =	sdelay $0x1  }
0x11: {  	s20 =	simm.s32 $_scs_section_size  }
0x12: {  	s4 =	simm.s32 $_size__tile_overlayer_lowered;
	s5 =	simm.s32 $_tile_overlayer_lowered  }
0x13: {  	s23 =	simm.s32 $0x1BFF;
	s22 =	sshll.u32 s5, $0x1;
	s1 =	sadd.s32 s20, s19  }
0x14: {  	s6 =	simm.s32 $0x0;
	s21 =	sshll.u32 s4, $0x1;
	s4 =	sadd.s32 s22, s1  }
0x15: {  	[timem:s6], [sflag:s23] =	dma.local [hbm:s4], s21  }
0x16: {  	_ =	swait.ge [sflag:s23], s21  }
0x17: {  	s2 =	ssub.s32 $0x0, s21;
	[sflag:s23] =	ssyncset.done $0x0  }
0x18: {  	[sflag:s23] =	ssyncadd.s32 s2;
	_ =	sdelay $0x1  }
0x19: {  	s24 =	simm.s32 $0x1B8B  }
0x1a: {  	_ =	swait.ge [sflag:s24], $0x1  }
0x1b: {  	[sflag:s24] =	ssyncset.done $0x0  }
0x1c: {  	s26 =	simm.s32 $0x1B8E;
	s25 =	sld [smem:$0x3FFE];
	[sflag:s24] =	ssyncadd.s32 $0xFFFFFFFF  }
0x1d: {  	s27 =	simm.s32 $execute0_lowered;
	[smem:$0x3FD2] =	sst s26  }
0x1e: {  	s4 =	sshll.u32 s27, $0x1;
	_ =	strace $0x8000004C;
	[dreg:$0x1] =	wrdreg $0xFFFFFFFF  }
0x1f: {  	s28 =	simm.s32 $_size_execute0_lowered;
	s1 =	sadd.s32 s1, s4;
	[dreg:$0x0] =	wrdreg $0x0  }
0x20: {  	s4 =	sshll.u32 s28, $0x1;
	[dreg:$0x2] =	wrdreg s1  }
0x21: {  	[dreg:$0x3] =	wrdreg s4  }
0x22: {  	[dreg:$0x4] =	wrdreg $0xC0  }
0x23: {  	_ =	task [dreg:s6], $0x5FFFF  }
0x24: {  	[dreg:$0x1] =	wrdreg $0xFFFFFFFF  }
0x25: {  	[dreg:$0x0] =	wrdreg $0x60  }
0x26: {  	[dreg:$0x2] =	wrdreg s25  }
0x27: {  	[dreg:$0x3] =	wrdreg $0x9  }
0x28: {  	_ =	task.clear_ibuf [dreg:s6], $0x4FFFF;
	_ =	strace $0x9000004C  }
0x29: {  	s29 =	simm.s32 $0x9;
	_ =	strace $0x8000004E  }
0x2a: {  	_ =	swait.ge [sflag:s29], $0x1  }
0x2b: {  	[sflag:s29] =	ssyncadd.s32 $0xFFFFFFFF  }
0x2c: {  	_ =	strace $0x9000004E  }
0x2d: {  	_ =	sfence  }
0x2e: {  	s30 =	sld [smem:$0x0];
	_ =	sdelay $0x2  }
0x2f: {  	s31 =	sshll.u32 s3, $0xD;
	s3 =	sshrl.u32 s3, $0x2  }
0x30: {  	s2 =	sand.u32 $0x4000, s31;
	s1 =	sadd.s32 s3, s30  }
0x31: {  	s0 =	sor.u32 s2, s0;
	s1 =	sshll.u32 s1, $0x11  }
0x32: {  	s0 =	sor.u32 s1, s0  }
0x33: {  	s0 =	sadd.s32 $0x8F2B, s0  }
0x34: {  	[sflag:s0] =	ssyncadd.remote.s32 $0x1  }
0x35: {  	_ =	sfence.sel $0xFFFF  }
0x36: {  	[dreg:$0x0] =	wrdreg $0xFFFFFFFF;
	(pc) =	sbr.abs _section_cstart, $3  }
0x37: {  	[dreg:$0x1] =	wrdreg $0xFFFFFFFF  }
0x38: {  	_ =	task.clear_ibuf [dreg:s6], $0x2FFFF;
	_ =	strace $0x9FFFFFFF  }
0x39: {  	(tm) =	ssettm $0x7FFFFFFF  }
tec
execute0_lowered:
.L_overlay_start_1:
0x0: {  	(tag) =	ssettag $0x1  }
0x1: {  	s0 =	stileid.u32  }
0x2: {  	s1 =	srdreg.scid;
	s2 =	rddreg [dreg:$0x0];
	s8 =	simm.s32 $0x0  }
0x3: {  	s31 =	simm.s32 $0x2;
	s17 =	simm.s32 $0x0;
	s10 =	simm.s32 $0x2000  }
0x4: {  	s15 =	simm.s32 $0x0;
	s16 =	simm.s32 $0x0;
	s11 =	simm.s32 $0x0  }
0x5: {  	s3 =	sshll.u32 s0, $0x1;
	s4 =	sshll.u32 s0, $0x4;
	s1 =	sshll.u32 s1, $0x8  }
0x6: {  	s14 =	simm.s32 $0x0;
	s3 =	sand.u32 $0xE, s3;
	s4 =	sor.u32 s4, s1  }
0x7: {  	s1 =	rddreg [dreg:$0x1];
	s4 =	sand.u32 $0x180, s4;
	s5 =	ssub.s32 $0x10, s3  }
0x8: {  	_ =	strace $0x8000004D;
	s6 =	sand.u32 $0xE, s5;
	s7 =	ssub.s32 $0x200, s4  }
0x9: {  	p0 =	seq.s32 s6, $0x0;
	s29 =	sand.u32 $0x180, s7;
	s6 =	simm.s32 $0x1  }
0xa: {  	s7 =	sshrl.u32 s7, $0x9;
	p1 =	sne.s32 s29, $0x0;
	s8 =	simm.s32 @!p0 $0x10  }
.Ltmp0:
0xb: {  	s6 =	simm.s32 @!p1 $0x0;
	s8 =	sadd.s32 s8, s5;
	(pc) =	sbr.rel .LBB1_1-.Ltmp0, $4  }
0xc: {  	s13 =	smov.u32 s3;
	s6 =	sadd.s32 s6, s7;
	s30 =	sand.u32 $0x30, s8  }
0xd: {  	s12 =	smov.u32 s4;
	s5 =	simm.s32 $0x1;
	s6 =	smul.u32 s6, s30  }
0xe: {  	p0 =	por $0x0, $0x0;
	[sflag:s5] =	ssyncpa.u1 $0x0;
	s7 =	sadd.s32 $0x600000, s2  }
0xf: {  	s8 =	sadd.s32 $0x620000, s2;
	[sflag:s31] =	ssyncpa.u1 $0x0;
	s9 =	sor.u32 $0x1, s6  }
.LBB1_7:
0x10: {  	s18 =	sadd.s32 $0x2, s11  }
0x11: {  	s15 =	sadd.s32 $0x200, s12;
	s19 =	smov.u32 s12;
	p2 =	sgt.s32 s18, $0x1F  }
0x12: {  	s19 =	smov.u32 @p2 s15  }
0x13: {  	s21 =	smov.u32 s13;
	s15 =	sadd.s32 $0x10, s13;
	p3 =	sgt.s32 s19, $0x1FF  }
0x14: {  	s21 =	smov.u32 @p3 s15  }
0x15: {  	s18 =	simm.s32 @p2 $0x0;
	p2 =	sgt.s32 s21, $0xF  }
0x16: {  	p1 =	slt.u32 s14, $0x2;
	s21 =	smov.u32 @p2 s3;
	p2 =	sne.s32 s14, s9  }
.Ltmp1:
0x17: {  	s20 =	simm.s32 @!p1 $0x2;
	(pc) =	sbr.rel @!p2 .LBB1_8-.Ltmp1, $4  }
0x18: {  	s17 =	smov.u32 s11;
	s16 =	smov.u32 s13;
	_ =	swait.ge @!p1 [sflag:s20], $0x4000  }
0x19: {  	p0 =	por !p0, !p0;
	[sflag:s20] =	ssyncset.done @!p1 $0x0;
	s11 =	smov.u32 s18  }
0x1a: {  	s19 =	smov.u32 @p3 s4;
	s15 =	smov.u32 s12;
	[sflag:s20] =	ssyncadd.s32 @!p1 $0xFFFFC000  }
0x1b: {  	s12 =	smov.u32 s19;
	s14 =	sadd.s32 $0x1, s14;
	s13 =	smov.u32 s21  }
.LBB1_1:
0x1c: {  	p1 =	sge.u32 s14, s6  }
0x1d: {  	s18 =	sshll.u32 @!p1 s13, $0x11;
	s19 =	sshll.u32 @!p1 s12, $0x8  }
0x1e: {  	s21 =	sshll.u32 @!p1 s11, $0x3;
	s22 =	sxor.u32 @!p1 $0xFFFFFFFF, s14;
	s23 =	simm.s32 @!p1 $0x40  }
0x1f: {  	s24 =	simm.s32 @!p1 $0x800;
	s20 =	sadd.s32 @!p1 s18, s19;
	s21 =	sand.u32 @!p1 $0xF0, s21  }
0x20: {  	s22 =	sshll.u32 @!p1 s22, $0xE;
	s18 =	sadd.s32 @!p1 s18, s8;
	s20 =	sadd.s32 @!p1 s7, s20  }
0x21: {  	s22 =	sand.u32 @!p1 $0x4000, s22;
	s18 =	sadd.s32 @!p1 s19, s18;
	s20 =	sadd.s32 @!p1 s21, s20  }
0x22: {  	[tilespmem:s22], [sflag:$0x1] =	stream.strided.gather @!p1 [hbm4b:s20+s23], $0x2000, s24, s23, $0x38;
	[tilespmem:$0x10100] =	vst v63  }
0x23: {  	s31 =	sadd.s32 $0xFFFFFFFF, s14;
	s18 =	sadd.s32 @!p1 s21, s18;
	s19 =	sor.u32 @!p1 $0x2000, s22  }
0x24: {  	[tilespmem:s19], [sflag:$0x1] =	stream.strided.gather @!p1 [hbm4b:s18+s23], $0x2000, s24, s23, $0x38;
	[tilespmem:$0x10100] =	vst v63  }
0x25: {  	p1 =	sge.u32 s31, s6  }
.Ltmp2:
0x26: {  	_ = 	snop;
	(pc) =	sbr.rel @p1 .LBB1_7-.Ltmp2, $1  }
0x27: {  	_ =	sdelay $0x3  }
0x28: {  	s18 =	simm.s32 $0x1;
	s20 =	sand.u32 $0x1, s14  }
0x29: {  	_ =	swait.ge [sflag:s5], $0x4000;
	s18 =	simm.s32 @!p0 $0x0;
	s20 =	smul.u32 $0x10200, s20  }
0x2a: {  	p2 =	por $0x1, $0x1;
	[sflag:s5] =	ssyncset.done $0x0;
	s19 =	smul.u32 $0x10200, s18  }
0x2b: {  	s21 =	sshll.u32 s18, $0x10;
	[sflag:s5] =	ssyncadd.s32 $0xFFFFC000;
	s30 =	sshrl.u32 s20, $0x2  }
0x2c: {  	s31 =	sshrl.u32 s21, $0x2;
	s21 =	simm.s32 $0x0;
	s19 =	sshrl.u32 s19, $0x2  }
0x2d: {  	s18 =	sor.u32 $0x8000, s30;
	s20 =	sadd.s32 $0x20, s31;
	s19 =	sor.u32 $0x8000, s19  }
.LBB1_3:
0x2e: {  	s22 =	sshll.u32 s21, $0xD  }
0x2f: {  	s22 =	sand.u32 $0x3FFFE000, s22  }
0x30: {  	s24 =	sadd.s32 s22, s20  }
0x31: {  	s31 =	smul.u32 $0x8100, s21;
	v3 =	vld [tilespmem:s24+$0x10]  }
0x32: {  	v1 =	vld [tilespmem:s24+$0xFFFFFFF0]  }
0x33: {  	s21 =	sshra.s32 s31, $0x2;
	v0 =	vld [tilespmem:s24+$0x0]  }
0x34: {  	s21 =	sadd.s32 s21, s19;
	v2 =	vld [tilespmem:s24+$0xFFFFFFE0]  }
0x35: {  	s22 =	sadd.s32 $0x0, s21  }
0x36: {  	p1 =	por p2, p2;
	s23 =	simm.s32 $0x4;
	s24 =	sadd.s32 $0x40, s24;
	[tilespmem:s22+$0x1830 ss:$0x81] =	vst.msk $0xffff, v3  }
.LBB1_4:
0x37: {  	v3 =	vld [tilespmem:s24+$0x10];
	p2 =	sne.s32 s23, $0x1FC;
	[tilespmem:s22+$0x810 ss:$0x81] =	vst.msk $0xffff, v1;
	s25 =	smov.u32 s23;
	s23 =	sadd.s32 $0x4, s23  }
.Ltmp3:
0x38: {  	v1 =	vld [tilespmem:s24+$0xFFFFFFF0];
	[tilespmem:s22+$0x1020 ss:$0x81] =	vst.msk $0xffff, v0;
	(pc) =	sbr.rel @p2 .LBB1_4-.Ltmp3, $4  }
0x39: {  	v0 =	vld [tilespmem:s24+$0x0];
	[tilespmem:s22+$0x0 ss:$0x81] =	vst.msk $0xffff, v2  }
0x3a: {  	s22 =	sshra.s32 s25, $0x2;
	v2 =	vld [tilespmem:s24+$0xFFFFFFE0]  }
0x3b: {  	s22 =	sadd.s32 s22, s21  }
0x3c: {  	s24 =	sadd.s32 $0x40, s24;
	[tilespmem:s22+$0x1830 ss:$0x81] =	vst.msk $0xffff, v3  }
.Ltmp4:
0x3d: {  	(pc) =	sbr.rel @p1 .LBB1_3-.Ltmp4, $4  }
0x3e: {  	_ = 	snop  }
0x3f: {  	[tilespmem:s22+$0x810 ss:$0x81] =	vst.msk $0xffff, v1  }
0x40: {  	[tilespmem:s22+$0x1020 ss:$0x81] =	vst.msk $0xffff, v0  }
0x41: {  	s21 =	simm.s32 $0x1;
	p2 =	por $0x0, $0x0;
	[tilespmem:s22+$0x0 ss:$0x81] =	vst.msk $0xffff, v2  }
0x42: {  	s19 =	sshll.u32 s17, $0x9;
	s20 =	sshll.u32 s15, $0x4;
	s28 =	sshll.u32 s17, $0x7  }
0x43: {  	s21 =	sshll.u32 s15, $0x1;
	s16 =	sshll.u32 s16, $0x10;
	s31 =	sand.u32 $0x7, s15  }
0x44: {  	s19 =	sand.u32 $0x2000, s19;
	s20 =	sand.u32 $0x3800, s20;
	s29 =	sand.u32 $0x600, s28  }
0x45: {  	s30 =	sand.u32 $0xF0, s21;
	s17 =	sand.u32 $0x100, s28;
	s19 =	sadd.s32 s20, s19  }
.Ltmp5:
0x46: {  	s17 =	sor.u32 s30, s17;
	s19 =	sor.u32 s29, s19;
	(pc) =	sbr.rel .LBB1_7-.Ltmp5, $4  }
0x47: {  	s16 =	sadd.s32 s2, s16;
	s17 =	sshrl.u32 s17, $0x4;
	s19 =	sshrl.u32 s19, $0x4  }
0x48: {  	s15 =	sshll.u32 s31, $0x12;
	s16 =	sadd.s32 s17, s16;
	s19 =	sand.u32 $0x3E0, s19  }
0x49: {  	s15 =	sor.u32 $0x80, s15;
	s16 =	sadd.s32 s19, s16  }
0x4a: {  	[hbm4b:s16+s15] =	stream.strided.scatter [tilespmem:s18], [sflag:$0x2], $0x4000, s10, s15, $0x20;
	[tilespmem:$0x10100] =	vst v63  }
.LBB1_8:
0x4b: {  	_ =	sfence.sel $0x180000  }
0x4c: {  	s2 =	simm.s32 $0x1;
	[bflag:$0x0] =	sbarrier.arrive $0xFFFF  }
0x4d: {  	s31 =	simm.s32 $0x2;
	[sflag:s2] =	ssyncpa.u1 $0x1  }
0x4e: {  	[sflag:s31] =	ssyncpa.u1 $0x1  }
0x4f: {  	p0 =	sne.s32 s0, $0x0;
	_ =	strace $0x9000004D  }
0x50: {  	s0 =	sadd.s32 @!p0 $0x100000, s1;
	[bflag:$0x2] =	sbarrier.arrive $0xFFFF  }
0x51: {  	[sflag:s0] =	ssyncadd.tile.s32 @!p0 $0x1;
	_ =	shalt  }
.Lfunc_end1:
_tile_overlayer_lowered:
.L_overlay_start_2:
0x52: {  	(tag) =	ssettag $0x2  }
0x53: {  	s0 =	rddreg [dreg:$0x0];
	s2 =	stileid.u32  }
0x54: {  	s1 =	rddreg [dreg:$0x1];
	p0 =	sne.s32 s2, $0x0  }
0x55: {  	s3 =	rddreg [dreg:$0x2];
	[bflag:$0x3] =	sbarrier.arrive $0xFFFF;
	s2 =	simm.s32 @!p0 $0x1C01  }
0x56: {  	[timem:s3], [sflag:s2] =	dma.local @!p0 [hbm:s0], s1  }
0x57: {  	s0 =	simm.s32 @!p0 $0x1  }
0x58: {  	_ =	swait.ge @!p0 [sflag:s0], s1  }
0x59: {  	s1 =	ssub.s32 @!p0 $0x0, s1;
	[sflag:s0] =	ssyncset.done @!p0 $0x0  }
0x5a: {  	[sflag:s0] =	ssyncadd.s32 @!p0 s1  }
0x5b: {  	[bflag:$0x3] =	sbarrier.arrive $0xFFFF  }
0x5c: {  	_ =	shalt  }

</sc_bundles>
